<compile_context>
chip_gen: v7x
topology: tpu7x:2x2x1
jax: 0.10.2.dev20260603
libtpu: 0.0.44.dev20260713+nightly
codegen_flags: <defaults>
</compile_context>

<pallas_src>
import functools

import jax
import jax.numpy as jnp
from jax import lax
from jax.experimental import pallas as pl
from jax.experimental.pallas import tpu as pltpu
from jax.experimental.pallas import tpu_sc as plsc

N = 50000
B = 512
F = 256
H = 32
GFD = 103
TB = 528
NS = 16
NPAD = 53248
TPW = NPAD // NS
RB = 4096
NBLK = NPAD // RB
L = 16

NEG_BIG = -3.0e38



def _k3_body(x_ref, b_ref, gf_ref, W1_ref, b1_ref, W2_ref, b2_ref,
             s_ref, g_sc):
    i = pl.program_id(0)

    @pl.when(i == 0)
    def _init_g():
        g = (jnp.dot(gf_ref[...], W1_ref[F:, :],
                     preferred_element_type=jnp.float32) + b1_ref[...])
        g_sc[...] = g.astype(jnp.bfloat16)

    ids = jnp.minimum(b_ref[...].reshape(1, RB), B - 1)
    iota = lax.broadcasted_iota(jnp.int32, (B, RB), 0)
    ohf = (ids == iota).astype(jnp.bfloat16)

    a = jnp.dot(x_ref[...], W1_ref[:F, :], preferred_element_type=jnp.float32)
    grow = lax.dot_general(ohf, g_sc[...], (((0,), (0,)), ((), ())),
                           preferred_element_type=jnp.float32)
    h = jax.nn.softplus(a + grow)
    srow = lax.dot_general(W2_ref[...], h, (((0,), (1,)), ((), ())),
                           preferred_element_type=jnp.float32)
    s_ref[...] = (srow + b2_ref[...])[0]


def _k3_scores(x, ids_pad, global_feat, W1, b1r, W2, b2r):
    return pl.pallas_call(
        _k3_body,
        grid=(NBLK,),
        in_specs=[
            pl.BlockSpec((RB, F), lambda i: (i, 0)),
            pl.BlockSpec((RB,), lambda i: (i,)),
            pl.BlockSpec((B, GFD), lambda i: (0, 0)),
            pl.BlockSpec((F + GFD, H), lambda i: (0, 0)),
            pl.BlockSpec((1, H), lambda i: (0, 0)),
            pl.BlockSpec((H, 1), lambda i: (0, 0)),
            pl.BlockSpec((1, 1), lambda i: (0, 0)),
        ],
        out_specs=pl.BlockSpec((RB,), lambda i: (i,)),
        out_shape=jax.ShapeDtypeStruct((NPAD,), jnp.float32),
        scratch_shapes=[
            pltpu.VMEM((B, H), jnp.bfloat16),
        ],
    )(x, ids_pad, global_feat, W1, b1r, W2, b2r)



_SC_MESH = plsc.VectorSubcoreMesh(core_axis_name="c", subcore_axis_name="s")
_SC_PARAMS = pltpu.CompilerParams(needs_layout_passes=False)


@functools.partial(
    pl.kernel,
    out_type=jax.ShapeDtypeStruct((NPAD,), jnp.float32),
    mesh=_SC_MESH,
    scratch_types=[
        pltpu.VMEM((TPW,), jnp.float32),
        pltpu.VMEM((TPW,), jnp.int32),
        pltpu.VMEM((TPW,), jnp.float32),
        pltpu.VMEM((TB,), jnp.float32),
        pltpu.VMEM((TB,), jnp.float32),
        pltpu.VMEM((NS, TB), jnp.float32),
        pltpu.VMEM_SHARED((NS, TB), jnp.float32),
        pltpu.VMEM_SHARED((NS, TB), jnp.float32),
        pltpu.VMEM((L,), jnp.int32),
        pltpu.VMEM((L,), jnp.float32),
        pltpu.VMEM((L,), jnp.int32),
        pltpu.VMEM((L,), jnp.float32),
    ],
    compiler_params=_SC_PARAMS,
)
def _k4_softmax(s_hbm, ids_hbm, w_hbm,
                s_v, id_v, e_v, mtab, dtab, allv, shm, shd,
                bufi, bufv, bufi2, bufv2):
    cid = lax.axis_index("c")
    sid = lax.axis_index("s")

    @pl.when(cid == 0)
    def _core0():
        base = sid * TPW
        pltpu.sync_copy(s_hbm.at[pl.ds(base, TPW)], s_v)
        pltpu.sync_copy(ids_hbm.at[pl.ds(base, TPW)], id_v)

        nvr = TPW // L

        for j in range(TB // L):
            mtab[pl.ds(j * L, L)] = jnp.full((L,), NEG_BIG, jnp.float32)

        lane = lax.iota(jnp.int32, L)
        shifts = [(k, jnp.maximum(lane - k, 0)) for k in (1, 2, 4, 8)]
        inx = jnp.minimum(lane + 1, L - 1)

        def scan_combine(ids, val, op, bi, bv):
            bi[...] = ids
            cur = val
            for k, idxk in shifts:
                ids_sh = plsc.load_gather(bi, [idxk])
                bv[...] = cur
                cur_sh = plsc.load_gather(bv, [idxk])
                ok = jnp.logical_and(ids_sh == ids, lane >= k)
                cur = jnp.where(ok, op(cur, cur_sh), cur)
            ids_nx = plsc.load_gather(bi, [inx])
            last = jnp.logical_or(ids_nx != ids, lane == L - 1)
            return cur, last

        bufs = ((bufi, bufv), (bufi2, bufv2))

        def max_it(v, carry):
            for u, (bi, bv) in enumerate(bufs):
                off = (v * 2 + u) * L
                ids = id_v[pl.ds(off, L)]
                sv = s_v[pl.ds(off, L)]
                cur, last = scan_combine(ids, sv, jnp.maximum, bi, bv)
                mg = plsc.load_gather(mtab, [ids])
                plsc.store_scatter(mtab, [ids], jnp.maximum(mg, cur), mask=last)
            return carry

        lax.fori_loop(0, nvr // 2, max_it, 0)

        pltpu.sync_copy(mtab, shm.at[sid])
        plsc.subcore_barrier()
        pltpu.sync_copy(shm, allv)

        def mred(j, carry):
            off = j * L
            acc = jnp.full((L,), NEG_BIG, jnp.float32)
            for r in range(NS):
                acc = jnp.maximum(acc, allv[r, pl.ds(off, L)])
            mtab[pl.ds(off, L)] = jnp.where(acc > NEG_BIG, acc, 0.0)
            dtab[pl.ds(off, L)] = jnp.zeros((L,), jnp.float32)
            return carry

        lax.fori_loop(0, TB // L, mred, 0)

        def sum_it(v, carry):
            for u, (bi, bv) in enumerate(bufs):
                off = (v * 2 + u) * L
                ids = id_v[pl.ds(off, L)]
                sv = s_v[pl.ds(off, L)]
                mg = plsc.load_gather(mtab, [ids])
                e = jnp.exp(sv - mg)
                e_v[pl.ds(off, L)] = e
                cur, last = scan_combine(ids, e, jnp.add, bi, bv)
                dg = plsc.load_gather(dtab, [ids])
                plsc.store_scatter(dtab, [ids], dg + cur, mask=last)
            return carry

        lax.fori_loop(0, nvr // 2, sum_it, 0)

        pltpu.sync_copy(dtab, shd.at[sid])
        plsc.subcore_barrier()
        pltpu.sync_copy(shd, allv)

        def dred(j, carry):
            off = j * L
            acc = jnp.zeros((L,), jnp.float32)
            for r in range(NS):
                acc = acc + allv[r, pl.ds(off, L)]
            dtab[pl.ds(off, L)] = acc
            return carry

        lax.fori_loop(0, TB // L, dred, 0)

        def norm_it(v, carry):
            for u in range(4):
                off = (v * 4 + u) * L
                ids = id_v[pl.ds(off, L)]
                dg = plsc.load_gather(dtab, [ids])
                e_v[pl.ds(off, L)] = e_v[pl.ds(off, L)] / (dg + 1e-16)
            return carry

        lax.fori_loop(0, nvr // 4, norm_it, 0)

        pltpu.sync_copy(e_v, w_hbm.at[pl.ds(base, TPW)])



def kernel(x, batch, global_feat, W1, b1, W2, b2):
    batch_i32 = batch.astype(jnp.int32)
    ids_pad = jnp.pad(batch_i32, (0, NPAD - N), constant_values=B)
    b1r = b1.reshape(1, H).astype(jnp.float32)
    b2r = b2.reshape(1, 1).astype(jnp.float32)

    s = _k3_scores(x, ids_pad, global_feat, W1, b1r, W2, b2r)
    w_pad = _k4_softmax(s, ids_pad)
    return w_pad[:N].reshape(N, 1)

# --- scband reference (transcript-rebuilt; emitter-appended) ---
"""Pipeline reference for scband-composition-attention-67448166416733 (READ-ONLY COPY).

The authoritative reference and input builder live on the scoring server;
editing this copy changes nothing except your own understanding.
"""

import jax, jax.numpy as jnp
import numpy as np

N = 50000
B = 512
NEURONS = 256

def setup_inputs(seed: int = 0) -> dict:
    key = jax.random.key(seed)
    ks = jax.random.split(key, 8)
    x = jax.random.normal(ks[0], (N, NEURONS), dtype=jnp.float32)
    batch = jnp.sort(jax.random.randint(ks[1], (N,), 0, B).astype(jnp.int64))
    global_feat = jax.random.normal(ks[2], (B, 103), dtype=jnp.float32)
    W1 = jax.random.normal(ks[3], (NEURONS + 103, 32), dtype=jnp.float32) * 0.05
    b1 = jnp.zeros((32,), dtype=jnp.float32)
    W2 = jax.random.normal(ks[4], (32, 1), dtype=jnp.float32) * 0.1
    b2 = jnp.zeros((1,), dtype=jnp.float32)
    return {"x": x, "batch": batch, "global_feat": global_feat,
            "W1": W1, "b1": b1, "W2": W2, "b2": b2}

def reference(x, batch, global_feat, W1, b1, W2, b2):
    nb = global_feat.shape[0]
    # counts per graph (batch is sorted and every graph id is present, so this
    # matches torch.unique(batch, return_counts=True)[-1])
    counts = jnp.bincount(batch, length=nb)
    # torch.repeat_interleave(global_feat, counts, dim=0)
    graph_feat = jnp.repeat(global_feat, counts, axis=0, total_repeat_length=x.shape[0])
    h = jnp.concatenate([x, graph_feat], axis=-1)
    h = jax.nn.softplus(h @ W1 + b1)
    s = h @ W2 + b2  # [N, 1]
    # segment softmax over nodes grouped by graph id (torch_scatter softmax)
    seg_max = jax.ops.segment_max(s, batch, num_segments=nb, indices_are_sorted=True)
    seg_max = jnp.where(jnp.isfinite(seg_max), seg_max, 0.0)
    e = jnp.exp(s - seg_max[batch])
    denom = jax.ops.segment_sum(e, batch, num_segments=nb, indices_are_sorted=True)
    weights = e / (denom[batch] + 1e-16)
    return weights

if __name__ == "__main__":
    import jax
    _d = setup_inputs()
    print(jax.jit(kernel)(*tuple(_d.values())))

</pallas_src>

<mosaic_0001>
#map = affine_map<(d0, d1) -> (0)>
module attributes {stable_mosaic.version = 14 : i64} {
  func.func @_k4_softmax(%arg0: i32, %arg1: i32, %arg2: memref<53248xf32, #tpu.memory_space<hbm>>, %arg3: memref<53248xi32, #tpu.memory_space<hbm>>, %arg4: memref<53248xf32, #tpu.memory_space<hbm>>, %arg5: memref<3328xf32, #tpu.memory_space<vmem>>, %arg6: memref<3328xi32, #tpu.memory_space<vmem>>, %arg7: memref<3328xf32, #tpu.memory_space<vmem>>, %arg8: memref<528xf32, #tpu.memory_space<vmem>>, %arg9: memref<528xf32, #tpu.memory_space<vmem>>, %arg10: memref<16x528xf32, #tpu.memory_space<vmem>>, %arg11: memref<16x528xf32, #tpu.memory_space<vmem_shared>>, %arg12: memref<16x528xf32, #tpu.memory_space<vmem_shared>>, %arg13: memref<16xi32, #tpu.memory_space<vmem>>, %arg14: memref<16xf32, #tpu.memory_space<vmem>>, %arg15: memref<16xi32, #tpu.memory_space<vmem>>, %arg16: memref<16xf32, #tpu.memory_space<vmem>>) attributes {dimension_semantics = [#tpu.dimension_semantics<core_parallel>, #tpu.dimension_semantics<subcore_parallel>], iteration_bounds = array<i64: 2, 16>, scalar_prefetch = 0 : i64, scratch_operands = 12 : i64, tpu.core_type = #tpu.core_type<sc_vector_subcore>, window_params = [{transform_indices = #map}, {transform_indices = #map}, {transform_indices = #map}]} {
    %eq3A = arith.constant 0 : i32
    %eq3A_0 = arith.cmpi eq, %arg0, %eq3A : i32
    %convert_element_type3A = arith.extui %eq3A_0 : i1 to i32
    %cond3A = arith.constant 0 : i32
    %cond3A_1 = arith.cmpi ne, %convert_element_type3A, %cond3A : i32
    scf.if %cond3A_1 {
      %mul3A = arith.constant 3328 : i32
      %mul3A_2 = arith.muli %arg1, %mul3A : i32
      "tpu.region"() ({
        %run_scoped3A = tpu.sem_alloc : memref<!tpu.dma_semaphore, #tpu.memory_space<semaphore_mem>>
        %dma_start3A = tpu.memref_slice %arg2[%mul3A_2] : memref<53248xf32, #tpu.memory_space<hbm>> -> memref<3328xf32, #tpu.memory_space<hbm>>
        %dma_start3A_189 = tpu.memref_slice %arg2[%mul3A_2] : memref<53248xf32, #tpu.memory_space<hbm>> -> memref<3328xf32, #tpu.memory_space<hbm>>
        tpu.enqueue_dma source(%dma_start3A_189 : memref<3328xf32, #tpu.memory_space<hbm>>) target(%arg5 : memref<3328xf32, #tpu.memory_space<vmem>>) target_semaphore(%run_scoped3A : memref<!tpu.dma_semaphore, #tpu.memory_space<semaphore_mem>>)
        %dma_wait3A = tpu.memref_slice %arg2[%mul3A_2] : memref<53248xf32, #tpu.memory_space<hbm>> -> memref<3328xf32, #tpu.memory_space<hbm>>
        %dma_wait3A_190 = tpu.memref_slice %arg2[%mul3A_2] : memref<53248xf32, #tpu.memory_space<hbm>> -> memref<3328xf32, #tpu.memory_space<hbm>>
        tpu.wait_dma2 semaphore(%run_scoped3A : memref<!tpu.dma_semaphore, #tpu.memory_space<semaphore_mem>>) src(%dma_wait3A_190 : memref<3328xf32, #tpu.memory_space<hbm>>) dst(%arg5 : memref<3328xf32, #tpu.memory_space<vmem>>)
        tpu.yield
      }) : () -> ()
      "tpu.region"() ({
        %run_scoped3A = tpu.sem_alloc : memref<!tpu.dma_semaphore, #tpu.memory_space<semaphore_mem>>
        %dma_start3A = tpu.memref_slice %arg3[%mul3A_2] : memref<53248xi32, #tpu.memory_space<hbm>> -> memref<3328xi32, #tpu.memory_space<hbm>>
        %dma_start3A_189 = tpu.memref_slice %arg3[%mul3A_2] : memref<53248xi32, #tpu.memory_space<hbm>> -> memref<3328xi32, #tpu.memory_space<hbm>>
        tpu.enqueue_dma source(%dma_start3A_189 : memref<3328xi32, #tpu.memory_space<hbm>>) target(%arg6 : memref<3328xi32, #tpu.memory_space<vmem>>) target_semaphore(%run_scoped3A : memref<!tpu.dma_semaphore, #tpu.memory_space<semaphore_mem>>)
        %dma_wait3A = tpu.memref_slice %arg3[%mul3A_2] : memref<53248xi32, #tpu.memory_space<hbm>> -> memref<3328xi32, #tpu.memory_space<hbm>>
        %dma_wait3A_190 = tpu.memref_slice %arg3[%mul3A_2] : memref<53248xi32, #tpu.memory_space<hbm>> -> memref<3328xi32, #tpu.memory_space<hbm>>
        tpu.wait_dma2 semaphore(%run_scoped3A : memref<!tpu.dma_semaphore, #tpu.memory_space<semaphore_mem>>) src(%dma_wait3A_190 : memref<3328xi32, #tpu.memory_space<hbm>>) dst(%arg6 : memref<3328xi32, #tpu.memory_space<vmem>>)
        tpu.yield
      }) : () -> ()
      %broadcast_in_dim3A = arith.constant -3.000000e+38 : f32
      %broadcast_in_dim3A_3 = vector.broadcast %broadcast_in_dim3A : f32 to vector<16xf32>
      %swap3A = arith.constant 0 : index
      %swap3A_4 = tpu.vector_load %arg8[%swap3A] {strides = array<i32>} : memref<528xf32, #tpu.memory_space<vmem>>, vector<16xf32>,
      tpu.vector_store %arg8[%swap3A], %broadcast_in_dim3A_3 {strides = array<i32>} : memref<528xf32, #tpu.memory_space<vmem>>, vector<16xf32>,
      %broadcast_in_dim3A_5 = arith.constant -3.000000e+38 : f32
      %broadcast_in_dim3A_6 = vector.broadcast %broadcast_in_dim3A_5 : f32 to vector<16xf32>
      %swap3A_7 = arith.constant 16 : index
      %swap3A_8 = tpu.vector_load %arg8[%swap3A_7] {strides = array<i32>} : memref<528xf32, #tpu.memory_space<vmem>>, vector<16xf32>,
      tpu.vector_store %arg8[%swap3A_7], %broadcast_in_dim3A_6 {strides = array<i32>} : memref<528xf32, #tpu.memory_space<vmem>>, vector<16xf32>,
      %broadcast_in_dim3A_9 = arith.constant -3.000000e+38 : f32
      %broadcast_in_dim3A_10 = vector.broadcast %broadcast_in_dim3A_9 : f32 to vector<16xf32>
      %swap3A_11 = arith.constant 32 : index
      %swap3A_12 = tpu.vector_load %arg8[%swap3A_11] {strides = array<i32>} : memref<528xf32, #tpu.memory_space<vmem>>, vector<16xf32>,
      tpu.vector_store %arg8[%swap3A_11], %broadcast_in_dim3A_10 {strides = array<i32>} : memref<528xf32, #tpu.memory_space<vmem>>, vector<16xf32>,
      %broadcast_in_dim3A_13 = arith.constant -3.000000e+38 : f32
      %broadcast_in_dim3A_14 = vector.broadcast %broadcast_in_dim3A_13 : f32 to vector<16xf32>
      %swap3A_15 = arith.constant 48 : index
      %swap3A_16 = tpu.vector_load %arg8[%swap3A_15] {strides = array<i32>} : memref<528xf32, #tpu.memory_space<vmem>>, vector<16xf32>,
      tpu.vector_store %arg8[%swap3A_15], %broadcast_in_dim3A_14 {strides = array<i32>} : memref<528xf32, #tpu.memory_space<vmem>>, vector<16xf32>,
      %broadcast_in_dim3A_17 = arith.constant -3.000000e+38 : f32
      %broadcast_in_dim3A_18 = vector.broadcast %broadcast_in_dim3A_17 : f32 to vector<16xf32>
      %swap3A_19 = arith.constant 64 : index
      %swap3A_20 = tpu.vector_load %arg8[%swap3A_19] {strides = array<i32>} : memref<528xf32, #tpu.memory_space<vmem>>, vector<16xf32>,
      tpu.vector_store %arg8[%swap3A_19], %broadcast_in_dim3A_18 {strides = array<i32>} : memref<528xf32, #tpu.memory_space<vmem>>, vector<16xf32>,
      %broadcast_in_dim3A_21 = arith.constant -3.000000e+38 : f32
      %broadcast_in_dim3A_22 = vector.broadcast %broadcast_in_dim3A_21 : f32 to vector<16xf32>
      %swap3A_23 = arith.constant 80 : index
      %swap3A_24 = tpu.vector_load %arg8[%swap3A_23] {strides = array<i32>} : memref<528xf32, #tpu.memory_space<vmem>>, vector<16xf32>,
      tpu.vector_store %arg8[%swap3A_23], %broadcast_in_dim3A_22 {strides = array<i32>} : memref<528xf32, #tpu.memory_space<vmem>>, vector<16xf32>,
      %broadcast_in_dim3A_25 = arith.constant -3.000000e+38 : f32
      %broadcast_in_dim3A_26 = vector.broadcast %broadcast_in_dim3A_25 : f32 to vector<16xf32>
      %swap3A_27 = arith.constant 96 : index
      %swap3A_28 = tpu.vector_load %arg8[%swap3A_27] {strides = array<i32>} : memref<528xf32, #tpu.memory_space<vmem>>, vector<16xf32>,
      tpu.vector_store %arg8[%swap3A_27], %broadcast_in_dim3A_26 {strides = array<i32>} : memref<528xf32, #tpu.memory_space<vmem>>, vector<16xf32>,
      %broadcast_in_dim3A_29 = arith.constant -3.000000e+38 : f32
      %broadcast_in_dim3A_30 = vector.broadcast %broadcast_in_dim3A_29 : f32 to vector<16xf32>
      %swap3A_31 = arith.constant 112 : index
      %swap3A_32 = tpu.vector_load %arg8[%swap3A_31] {strides = array<i32>} : memref<528xf32, #tpu.memory_space<vmem>>, vector<16xf32>,
      tpu.vector_store %arg8[%swap3A_31], %broadcast_in_dim3A_30 {strides = array<i32>} : memref<528xf32, #tpu.memory_space<vmem>>, vector<16xf32>,
      %broadcast_in_dim3A_33 = arith.constant -3.000000e+38 : f32
      %broadcast_in_dim3A_34 = vector.broadcast %broadcast_in_dim3A_33 : f32 to vector<16xf32>
      %swap3A_35 = arith.constant 128 : index
      %swap3A_36 = tpu.vector_load %arg8[%swap3A_35] {strides = array<i32>} : memref<528xf32, #tpu.memory_space<vmem>>, vector<16xf32>,
      tpu.vector_store %arg8[%swap3A_35], %broadcast_in_dim3A_34 {strides = array<i32>} : memref<528xf32, #tpu.memory_space<vmem>>, vector<16xf32>,
      %broadcast_in_dim3A_37 = arith.constant -3.000000e+38 : f32
      %broadcast_in_dim3A_38 = vector.broadcast %broadcast_in_dim3A_37 : f32 to vector<16xf32>
      %swap3A_39 = arith.constant 144 : index
      %swap3A_40 = tpu.vector_load %arg8[%swap3A_39] {strides = array<i32>} : memref<528xf32, #tpu.memory_space<vmem>>, vector<16xf32>,
      tpu.vector_store %arg8[%swap3A_39], %broadcast_in_dim3A_38 {strides = array<i32>} : memref<528xf32, #tpu.memory_space<vmem>>, vector<16xf32>,
      %broadcast_in_dim3A_41 = arith.constant -3.000000e+38 : f32
      %broadcast_in_dim3A_42 = vector.broadcast %broadcast_in_dim3A_41 : f32 to vector<16xf32>
      %swap3A_43 = arith.constant 160 : index
      %swap3A_44 = tpu.vector_load %arg8[%swap3A_43] {strides = array<i32>} : memref<528xf32, #tpu.memory_space<vmem>>, vector<16xf32>,
      tpu.vector_store %arg8[%swap3A_43], %broadcast_in_dim3A_42 {strides = array<i32>} : memref<528xf32, #tpu.memory_space<vmem>>, vector<16xf32>,
      %broadcast_in_dim3A_45 = arith.constant -3.000000e+38 : f32
      %broadcast_in_dim3A_46 = vector.broadcast %broadcast_in_dim3A_45 : f32 to vector<16xf32>
      %swap3A_47 = arith.constant 176 : index
      %swap3A_48 = tpu.vector_load %arg8[%swap3A_47] {strides = array<i32>} : memref<528xf32, #tpu.memory_space<vmem>>, vector<16xf32>,
      tpu.vector_store %arg8[%swap3A_47], %broadcast_in_dim3A_46 {strides = array<i32>} : memref<528xf32, #tpu.memory_space<vmem>>, vector<16xf32>,
      %broadcast_in_dim3A_49 = arith.constant -3.000000e+38 : f32
      %broadcast_in_dim3A_50 = vector.broadcast %broadcast_in_dim3A_49 : f32 to vector<16xf32>
      %swap3A_51 = arith.constant 192 : index
      %swap3A_52 = tpu.vector_load %arg8[%swap3A_51] {strides = array<i32>} : memref<528xf32, #tpu.memory_space<vmem>>, vector<16xf32>,
      tpu.vector_store %arg8[%swap3A_51], %broadcast_in_dim3A_50 {strides = array<i32>} : memref<528xf32, #tpu.memory_space<vmem>>, vector<16xf32>,
      %broadcast_in_dim3A_53 = arith.constant -3.000000e+38 : f32
      %broadcast_in_dim3A_54 = vector.broadcast %broadcast_in_dim3A_53 : f32 to vector<16xf32>
      %swap3A_55 = arith.constant 208 : index
      %swap3A_56 = tpu.vector_load %arg8[%swap3A_55] {strides = array<i32>} : memref<528xf32, #tpu.memory_space<vmem>>, vector<16xf32>,
      tpu.vector_store %arg8[%swap3A_55], %broadcast_in_dim3A_54 {strides = array<i32>} : memref<528xf32, #tpu.memory_space<vmem>>, vector<16xf32>,
      %broadcast_in_dim3A_57 = arith.constant -3.000000e+38 : f32
      %broadcast_in_dim3A_58 = vector.broadcast %broadcast_in_dim3A_57 : f32 to vector<16xf32>
      %swap3A_59 = arith.constant 224 : index
      %swap3A_60 = tpu.vector_load %arg8[%swap3A_59] {strides = array<i32>} : memref<528xf32, #tpu.memory_space<vmem>>, vector<16xf32>,
      tpu.vector_store %arg8[%swap3A_59], %broadcast_in_dim3A_58 {strides = array<i32>} : memref<528xf32, #tpu.memory_space<vmem>>, vector<16xf32>,
      %broadcast_in_dim3A_61 = arith.constant -3.000000e+38 : f32
      %broadcast_in_dim3A_62 = vector.broadcast %broadcast_in_dim3A_61 : f32 to vector<16xf32>
      %swap3A_63 = arith.constant 240 : index
      %swap3A_64 = tpu.vector_load %arg8[%swap3A_63] {strides = array<i32>} : memref<528xf32, #tpu.memory_space<vmem>>, vector<16xf32>,
      tpu.vector_store %arg8[%swap3A_63], %broadcast_in_dim3A_62 {strides = array<i32>} : memref<528xf32, #tpu.memory_space<vmem>>, vector<16xf32>,
      %broadcast_in_dim3A_65 = arith.constant -3.000000e+38 : f32
      %broadcast_in_dim3A_66 = vector.broadcast %broadcast_in_dim3A_65 : f32 to vector<16xf32>
      %swap3A_67 = arith.constant 256 : index
      %swap3A_68 = tpu.vector_load %arg8[%swap3A_67] {strides = array<i32>} : memref<528xf32, #tpu.memory_space<vmem>>, vector<16xf32>,
      tpu.vector_store %arg8[%swap3A_67], %broadcast_in_dim3A_66 {strides = array<i32>} : memref<528xf32, #tpu.memory_space<vmem>>, vector<16xf32>,
      %broadcast_in_dim3A_69 = arith.constant -3.000000e+38 : f32
      %broadcast_in_dim3A_70 = vector.broadcast %broadcast_in_dim3A_69 : f32 to vector<16xf32>
      %swap3A_71 = arith.constant 272 : index
      %swap3A_72 = tpu.vector_load %arg8[%swap3A_71] {strides = array<i32>} : memref<528xf32, #tpu.memory_space<vmem>>, vector<16xf32>,
      tpu.vector_store %arg8[%swap3A_71], %broadcast_in_dim3A_70 {strides = array<i32>} : memref<528xf32, #tpu.memory_space<vmem>>, vector<16xf32>,
      %broadcast_in_dim3A_73 = arith.constant -3.000000e+38 : f32
      %broadcast_in_dim3A_74 = vector.broadcast %broadcast_in_dim3A_73 : f32 to vector<16xf32>
      %swap3A_75 = arith.constant 288 : index
      %swap3A_76 = tpu.vector_load %arg8[%swap3A_75] {strides = array<i32>} : memref<528xf32, #tpu.memory_space<vmem>>, vector<16xf32>,
      tpu.vector_store %arg8[%swap3A_75], %broadcast_in_dim3A_74 {strides = array<i32>} : memref<528xf32, #tpu.memory_space<vmem>>, vector<16xf32>,
      %broadcast_in_dim3A_77 = arith.constant -3.000000e+38 : f32
      %broadcast_in_dim3A_78 = vector.broadcast %broadcast_in_dim3A_77 : f32 to vector<16xf32>
      %swap3A_79 = arith.constant 304 : index
      %swap3A_80 = tpu.vector_load %arg8[%swap3A_79] {strides = array<i32>} : memref<528xf32, #tpu.memory_space<vmem>>, vector<16xf32>,
      tpu.vector_store %arg8[%swap3A_79], %broadcast_in_dim3A_78 {strides = array<i32>} : memref<528xf32, #tpu.memory_space<vmem>>, vector<16xf32>,
      %broadcast_in_dim3A_81 = arith.constant -3.000000e+38 : f32
      %broadcast_in_dim3A_82 = vector.broadcast %broadcast_in_dim3A_81 : f32 to vector<16xf32>
      %swap3A_83 = arith.constant 320 : index
      %swap3A_84 = tpu.vector_load %arg8[%swap3A_83] {strides = array<i32>} : memref<528xf32, #tpu.memory_space<vmem>>, vector<16xf32>,
      tpu.vector_store %arg8[%swap3A_83], %broadcast_in_dim3A_82 {strides = array<i32>} : memref<528xf32, #tpu.memory_space<vmem>>, vector<16xf32>,
      %broadcast_in_dim3A_85 = arith.constant -3.000000e+38 : f32
      %broadcast_in_dim3A_86 = vector.broadcast %broadcast_in_dim3A_85 : f32 to vector<16xf32>
      %swap3A_87 = arith.constant 336 : index
      %swap3A_88 = tpu.vector_load %arg8[%swap3A_87] {strides = array<i32>} : memref<528xf32, #tpu.memory_space<vmem>>, vector<16xf32>,
      tpu.vector_store %arg8[%swap3A_87], %broadcast_in_dim3A_86 {strides = array<i32>} : memref<528xf32, #tpu.memory_space<vmem>>, vector<16xf32>,
      %broadcast_in_dim3A_89 = arith.constant -3.000000e+38 : f32
      %broadcast_in_dim3A_90 = vector.broadcast %broadcast_in_dim3A_89 : f32 to vector<16xf32>
      %swap3A_91 = arith.constant 352 : index
      %swap3A_92 = tpu.vector_load %arg8[%swap3A_91] {strides = array<i32>} : memref<528xf32, #tpu.memory_space<vmem>>, vector<16xf32>,
      tpu.vector_store %arg8[%swap3A_91], %broadcast_in_dim3A_90 {strides = array<i32>} : memref<528xf32, #tpu.memory_space<vmem>>, vector<16xf32>,
      %broadcast_in_dim3A_93 = arith.constant -3.000000e+38 : f32
      %broadcast_in_dim3A_94 = vector.broadcast %broadcast_in_dim3A_93 : f32 to vector<16xf32>
      %swap3A_95 = arith.constant 368 : index
      %swap3A_96 = tpu.vector_load %arg8[%swap3A_95] {strides = array<i32>} : memref<528xf32, #tpu.memory_space<vmem>>, vector<16xf32>,
      tpu.vector_store %arg8[%swap3A_95], %broadcast_in_dim3A_94 {strides = array<i32>} : memref<528xf32, #tpu.memory_space<vmem>>, vector<16xf32>,
      %broadcast_in_dim3A_97 = arith.constant -3.000000e+38 : f32
      %broadcast_in_dim3A_98 = vector.broadcast %broadcast_in_dim3A_97 : f32 to vector<16xf32>
      %swap3A_99 = arith.constant 384 : index
      %swap3A_100 = tpu.vector_load %arg8[%swap3A_99] {strides = array<i32>} : memref<528xf32, #tpu.memory_space<vmem>>, vector<16xf32>,
      tpu.vector_store %arg8[%swap3A_99], %broadcast_in_dim3A_98 {strides = array<i32>} : memref<528xf32, #tpu.memory_space<vmem>>, vector<16xf32>,
      %broadcast_in_dim3A_101 = arith.constant -3.000000e+38 : f32
      %broadcast_in_dim3A_102 = vector.broadcast %broadcast_in_dim3A_101 : f32 to vector<16xf32>
      %swap3A_103 = arith.constant 400 : index
      %swap3A_104 = tpu.vector_load %arg8[%swap3A_103] {strides = array<i32>} : memref<528xf32, #tpu.memory_space<vmem>>, vector<16xf32>,
      tpu.vector_store %arg8[%swap3A_103], %broadcast_in_dim3A_102 {strides = array<i32>} : memref<528xf32, #tpu.memory_space<vmem>>, vector<16xf32>,
      %broadcast_in_dim3A_105 = arith.constant -3.000000e+38 : f32
      %broadcast_in_dim3A_106 = vector.broadcast %broadcast_in_dim3A_105 : f32 to vector<16xf32>
      %swap3A_107 = arith.constant 416 : index
      %swap3A_108 = tpu.vector_load %arg8[%swap3A_107] {strides = array<i32>} : memref<528xf32, #tpu.memory_space<vmem>>, vector<16xf32>,
      tpu.vector_store %arg8[%swap3A_107], %broadcast_in_dim3A_106 {strides = array<i32>} : memref<528xf32, #tpu.memory_space<vmem>>, vector<16xf32>,
      %broadcast_in_dim3A_109 = arith.constant -3.000000e+38 : f32
      %broadcast_in_dim3A_110 = vector.broadcast %broadcast_in_dim3A_109 : f32 to vector<16xf32>
      %swap3A_111 = arith.constant 432 : index
      %swap3A_112 = tpu.vector_load %arg8[%swap3A_111] {strides = array<i32>} : memref<528xf32, #tpu.memory_space<vmem>>, vector<16xf32>,
      tpu.vector_store %arg8[%swap3A_111], %broadcast_in_dim3A_110 {strides = array<i32>} : memref<528xf32, #tpu.memory_space<vmem>>, vector<16xf32>,
      %broadcast_in_dim3A_113 = arith.constant -3.000000e+38 : f32
      %broadcast_in_dim3A_114 = vector.broadcast %broadcast_in_dim3A_113 : f32 to vector<16xf32>
      %swap3A_115 = arith.constant 448 : index
      %swap3A_116 = tpu.vector_load %arg8[%swap3A_115] {strides = array<i32>} : memref<528xf32, #tpu.memory_space<vmem>>, vector<16xf32>,
      tpu.vector_store %arg8[%swap3A_115], %broadcast_in_dim3A_114 {strides = array<i32>} : memref<528xf32, #tpu.memory_space<vmem>>, vector<16xf32>,
      %broadcast_in_dim3A_117 = arith.constant -3.000000e+38 : f32
      %broadcast_in_dim3A_118 = vector.broadcast %broadcast_in_dim3A_117 : f32 to vector<16xf32>
      %swap3A_119 = arith.constant 464 : index
      %swap3A_120 = tpu.vector_load %arg8[%swap3A_119] {strides = array<i32>} : memref<528xf32, #tpu.memory_space<vmem>>, vector<16xf32>,
      tpu.vector_store %arg8[%swap3A_119], %broadcast_in_dim3A_118 {strides = array<i32>} : memref<528xf32, #tpu.memory_space<vmem>>, vector<16xf32>,
      %broadcast_in_dim3A_121 = arith.constant -3.000000e+38 : f32
      %broadcast_in_dim3A_122 = vector.broadcast %broadcast_in_dim3A_121 : f32 to vector<16xf32>
      %swap3A_123 = arith.constant 480 : index
      %swap3A_124 = tpu.vector_load %arg8[%swap3A_123] {strides = array<i32>} : memref<528xf32, #tpu.memory_space<vmem>>, vector<16xf32>,
      tpu.vector_store %arg8[%swap3A_123], %broadcast_in_dim3A_122 {strides = array<i32>} : memref<528xf32, #tpu.memory_space<vmem>>, vector<16xf32>,
      %broadcast_in_dim3A_125 = arith.constant -3.000000e+38 : f32
      %broadcast_in_dim3A_126 = vector.broadcast %broadcast_in_dim3A_125 : f32 to vector<16xf32>
      %swap3A_127 = arith.constant 496 : index
      %swap3A_128 = tpu.vector_load %arg8[%swap3A_127] {strides = array<i32>} : memref<528xf32, #tpu.memory_space<vmem>>, vector<16xf32>,
      tpu.vector_store %arg8[%swap3A_127], %broadcast_in_dim3A_126 {strides = array<i32>} : memref<528xf32, #tpu.memory_space<vmem>>, vector<16xf32>,
      %broadcast_in_dim3A_129 = arith.constant -3.000000e+38 : f32
      %broadcast_in_dim3A_130 = vector.broadcast %broadcast_in_dim3A_129 : f32 to vector<16xf32>
      %swap3A_131 = arith.constant 512 : index
      %swap3A_132 = tpu.vector_load %arg8[%swap3A_131] {strides = array<i32>} : memref<528xf32, #tpu.memory_space<vmem>>, vector<16xf32>,
      tpu.vector_store %arg8[%swap3A_131], %broadcast_in_dim3A_130 {strides = array<i32>} : memref<528xf32, #tpu.memory_space<vmem>>, vector<16xf32>,
      %iota3A = tpu.iota {dimensions = array<i32: 0>} : vector<16xi32>
      %sub3A = arith.constant 1 : i32
      %sub3A_133 = vector.broadcast %sub3A : i32 to vector<16xi32>
      %sub3A_134 = arith.subi %iota3A, %sub3A_133 : vector<16xi32>
      %max3A = arith.constant 0 : i32
      %max3A_135 = vector.broadcast %max3A : i32 to vector<16xi32>
      %max3A_136 = arith.maxsi %sub3A_134, %max3A_135 : vector<16xi32>
      %sub3A_137 = arith.constant 2 : i32
      %sub3A_138 = vector.broadcast %sub3A_137 : i32 to vector<16xi32>
      %sub3A_139 = arith.subi %iota3A, %sub3A_138 : vector<16xi32>
      %max3A_140 = arith.constant 0 : i32
      %max3A_141 = vector.broadcast %max3A_140 : i32 to vector<16xi32>
      %max3A_142 = arith.maxsi %sub3A_139, %max3A_141 : vector<16xi32>
      %sub3A_143 = arith.constant 4 : i32
      %sub3A_144 = vector.broadcast %sub3A_143 : i32 to vector<16xi32>
      %sub3A_145 = arith.subi %iota3A, %sub3A_144 : vector<16xi32>
      %max3A_146 = arith.constant 0 : i32
      %max3A_147 = vector.broadcast %max3A_146 : i32 to vector<16xi32>
      %max3A_148 = arith.maxsi %sub3A_145, %max3A_147 : vector<16xi32>
      %sub3A_149 = arith.constant 8 : i32
      %sub3A_150 = vector.broadcast %sub3A_149 : i32 to vector<16xi32>
      %sub3A_151 = arith.subi %iota3A, %sub3A_150 : vector<16xi32>
      %max3A_152 = arith.constant 0 : i32
      %max3A_153 = vector.broadcast %max3A_152 : i32 to vector<16xi32>
      %max3A_154 = arith.maxsi %sub3A_151, %max3A_153 : vector<16xi32>
      %add3A = arith.constant 1 : i32
      %add3A_155 = vector.broadcast %add3A : i32 to vector<16xi32>
      %add3A_156 = arith.addi %iota3A, %add3A_155 : vector<16xi32>
      %min3A = arith.constant 15 : i32
      %min3A_157 = vector.broadcast %min3A : i32 to vector<16xi32>
      %min3A_158 = arith.minsi %add3A_156, %min3A_157 : vector<16xi32>
      %scan3A = arith.constant 0 : i32
      %scan3A_159 = arith.constant 0 : i32
      %scan3A_160 = arith.constant 104 : i32
      %scan3A_161 = arith.addi %scan3A_159, %scan3A_160 : i32
      %scan3A_162 = arith.constant 1 : i32
      scf.for %scan3A_189 = %scan3A_159 to %scan3A_161 step %scan3A_162  : i32 {
        %mul3A_190 = arith.constant 2 : i32
        %mul3A_191 = arith.muli %scan3A_189, %mul3A_190 : i32
        %add3A_192 = arith.constant 0 : i32
        %add3A_193 = arith.addi %mul3A_191, %add3A_192 : i32
        %mul3A_194 = arith.constant 16 : i32
        %mul3A_195 = arith.muli %add3A_193, %mul3A_194 : i32
        %get3A = arith.index_cast %mul3A_195 : i32 to index
        %get3A_196 = tpu.vector_load %arg6[%get3A] {strides = array<i32>} : memref<3328xi32, #tpu.memory_space<vmem>>, vector<16xi32>,
        %get3A_197 = arith.index_cast %mul3A_195 : i32 to index
        %get3A_198 = tpu.vector_load %arg5[%get3A_197] {strides = array<i32>} : memref<3328xf32, #tpu.memory_space<vmem>>, vector<16xf32>,
        %swap3A_199 = arith.constant 0 : index
        %swap3A_200 = tpu.vector_load %arg13[%swap3A_199] {strides = array<i32>} : memref<16xi32, #tpu.memory_space<vmem>>, vector<16xi32>,
        tpu.vector_store %arg13[%swap3A_199], %get3A_196 {strides = array<i32>} : memref<16xi32, #tpu.memory_space<vmem>>, vector<16xi32>,
        %gather3A = tpu.vector_load_idx %arg13[%max3A_136] : memref<16xi32, #tpu.memory_space<vmem>>[vector<16xi32>], vector<16xi32>,
        %swap3A_201 = arith.constant 0 : index
        %swap3A_202 = tpu.vector_load %arg14[%swap3A_201] {strides = array<i32>} : memref<16xf32, #tpu.memory_space<vmem>>, vector<16xf32>,
        tpu.vector_store %arg14[%swap3A_201], %get3A_198 {strides = array<i32>} : memref<16xf32, #tpu.memory_space<vmem>>, vector<16xf32>,
        %gather3A_203 = tpu.vector_load_idx %arg14[%max3A_136] : memref<16xf32, #tpu.memory_space<vmem>>[vector<16xi32>], vector<16xf32>,
        %eq3A_204 = arith.cmpi eq, %gather3A, %get3A_196 : vector<16xi32>
        %ge3A = arith.constant 1 : i32
        %ge3A_205 = vector.broadcast %ge3A : i32 to vector<16xi32>
        %ge3A_206 = arith.cmpi sge, %iota3A, %ge3A_205 : vector<16xi32>
        %and3A = arith.andi %eq3A_204, %ge3A_206 : vector<16xi1>
        %max3A_207 = arith.maximumf %get3A_198, %gather3A_203 : vector<16xf32>
        %select_n3A = arith.select %and3A, %max3A_207, %get3A_198 : vector<16xi1>, vector<16xf32>
        %gather3A_208 = tpu.vector_load_idx %arg13[%max3A_142] : memref<16xi32, #tpu.memory_space<vmem>>[vector<16xi32>], vector<16xi32>,
        %swap3A_209 = arith.constant 0 : index
        %swap3A_210 = tpu.vector_load %arg14[%swap3A_209] {strides = array<i32>} : memref<16xf32, #tpu.memory_space<vmem>>, vector<16xf32>,
        tpu.vector_store %arg14[%swap3A_209], %select_n3A {strides = array<i32>} : memref<16xf32, #tpu.memory_space<vmem>>, vector<16xf32>,
        %gather3A_211 = tpu.vector_load_idx %arg14[%max3A_142] : memref<16xf32, #tpu.memory_space<vmem>>[vector<16xi32>], vector<16xf32>,
        %eq3A_212 = arith.cmpi eq, %gather3A_208, %get3A_196 : vector<16xi32>
        %ge3A_213 = arith.constant 2 : i32
        %ge3A_214 = vector.broadcast %ge3A_213 : i32 to vector<16xi32>
        %ge3A_215 = arith.cmpi sge, %iota3A, %ge3A_214 : vector<16xi32>
        %and3A_216 = arith.andi %eq3A_212, %ge3A_215 : vector<16xi1>
        %max3A_217 = arith.maximumf %select_n3A, %gather3A_211 : vector<16xf32>
        %select_n3A_218 = arith.select %and3A_216, %max3A_217, %select_n3A : vector<16xi1>, vector<16xf32>
        %gather3A_219 = tpu.vector_load_idx %arg13[%max3A_148] : memref<16xi32, #tpu.memory_space<vmem>>[vector<16xi32>], vector<16xi32>,
        %swap3A_220 = arith.constant 0 : index
        %swap3A_221 = tpu.vector_load %arg14[%swap3A_220] {strides = array<i32>} : memref<16xf32, #tpu.memory_space<vmem>>, vector<16xf32>,
        tpu.vector_store %arg14[%swap3A_220], %select_n3A_218 {strides = array<i32>} : memref<16xf32, #tpu.memory_space<vmem>>, vector<16xf32>,
        %gather3A_222 = tpu.vector_load_idx %arg14[%max3A_148] : memref<16xf32, #tpu.memory_space<vmem>>[vector<16xi32>], vector<16xf32>,
        %eq3A_223 = arith.cmpi eq, %gather3A_219, %get3A_196 : vector<16xi32>
        %ge3A_224 = arith.constant 4 : i32
        %ge3A_225 = vector.broadcast %ge3A_224 : i32 to vector<16xi32>
        %ge3A_226 = arith.cmpi sge, %iota3A, %ge3A_225 : vector<16xi32>
        %and3A_227 = arith.andi %eq3A_223, %ge3A_226 : vector<16xi1>
        %max3A_228 = arith.maximumf %select_n3A_218, %gather3A_222 : vector<16xf32>
        %select_n3A_229 = arith.select %and3A_227, %max3A_228, %select_n3A_218 : vector<16xi1>, vector<16xf32>
        %gather3A_230 = tpu.vector_load_idx %arg13[%max3A_154] : memref<16xi32, #tpu.memory_space<vmem>>[vector<16xi32>], vector<16xi32>,
        %swap3A_231 = arith.constant 0 : index
        %swap3A_232 = tpu.vector_load %arg14[%swap3A_231] {strides = array<i32>} : memref<16xf32, #tpu.memory_space<vmem>>, vector<16xf32>,
        tpu.vector_store %arg14[%swap3A_231], %select_n3A_229 {strides = array<i32>} : memref<16xf32, #tpu.memory_space<vmem>>, vector<16xf32>,
        %gather3A_233 = tpu.vector_load_idx %arg14[%max3A_154] : memref<16xf32, #tpu.memory_space<vmem>>[vector<16xi32>], vector<16xf32>,
        %eq3A_234 = arith.cmpi eq, %gather3A_230, %get3A_196 : vector<16xi32>
        %ge3A_235 = arith.constant 8 : i32
        %ge3A_236 = vector.broadcast %ge3A_235 : i32 to vector<16xi32>
        %ge3A_237 = arith.cmpi sge, %iota3A, %ge3A_236 : vector<16xi32>
        %and3A_238 = arith.andi %eq3A_234, %ge3A_237 : vector<16xi1>
        %max3A_239 = arith.maximumf %select_n3A_229, %gather3A_233 : vector<16xf32>
        %select_n3A_240 = arith.select %and3A_238, %max3A_239, %select_n3A_229 : vector<16xi1>, vector<16xf32>
        %gather3A_241 = tpu.vector_load_idx %arg13[%min3A_158] : memref<16xi32, #tpu.memory_space<vmem>>[vector<16xi32>], vector<16xi32>,
        %ne3A = arith.cmpi ne, %gather3A_241, %get3A_196 : vector<16xi32>
        %eq3A_242 = arith.constant 15 : i32
        %eq3A_243 = vector.broadcast %eq3A_242 : i32 to vector<16xi32>
        %eq3A_244 = arith.cmpi eq, %iota3A, %eq3A_243 : vector<16xi32>
        %or3A = arith.ori %ne3A, %eq3A_244 : vector<16xi1>
        %gather3A_245 = tpu.vector_load_idx %arg8[%get3A_196] : memref<528xf32, #tpu.memory_space<vmem>>[vector<16xi32>], vector<16xf32>,
        %max3A_246 = arith.maximumf %gather3A_245, %select_n3A_240 : vector<16xf32>
        tpu.vector_store_idx %arg8[%get3A_196], %max3A_246 masked %or3A : memref<528xf32, #tpu.memory_space<vmem>>[vector<16xi32>], vector<16xf32>, vector<16xi1>
        %mul3A_247 = arith.constant 2 : i32
        %mul3A_248 = arith.muli %scan3A_189, %mul3A_247 : i32
        %add3A_249 = arith.constant 1 : i32
        %add3A_250 = arith.addi %mul3A_248, %add3A_249 : i32
        %mul3A_251 = arith.constant 16 : i32
        %mul3A_252 = arith.muli %add3A_250, %mul3A_251 : i32
        %get3A_253 = arith.index_cast %mul3A_252 : i32 to index
        %get3A_254 = tpu.vector_load %arg6[%get3A_253] {strides = array<i32>} : memref<3328xi32, #tpu.memory_space<vmem>>, vector<16xi32>,
        %get3A_255 = arith.index_cast %mul3A_252 : i32 to index
        %get3A_256 = tpu.vector_load %arg5[%get3A_255] {strides = array<i32>} : memref<3328xf32, #tpu.memory_space<vmem>>, vector<16xf32>,
        %swap3A_257 = arith.constant 0 : index
        %swap3A_258 = tpu.vector_load %arg15[%swap3A_257] {strides = array<i32>} : memref<16xi32, #tpu.memory_space<vmem>>, vector<16xi32>,
        tpu.vector_store %arg15[%swap3A_257], %get3A_254 {strides = array<i32>} : memref<16xi32, #tpu.memory_space<vmem>>, vector<16xi32>,
        %gather3A_259 = tpu.vector_load_idx %arg15[%max3A_136] : memref<16xi32, #tpu.memory_space<vmem>>[vector<16xi32>], vector<16xi32>,
        %swap3A_260 = arith.constant 0 : index
        %swap3A_261 = tpu.vector_load %arg16[%swap3A_260] {strides = array<i32>} : memref<16xf32, #tpu.memory_space<vmem>>, vector<16xf32>,
        tpu.vector_store %arg16[%swap3A_260], %get3A_256 {strides = array<i32>} : memref<16xf32, #tpu.memory_space<vmem>>, vector<16xf32>,
        %gather3A_262 = tpu.vector_load_idx %arg16[%max3A_136] : memref<16xf32, #tpu.memory_space<vmem>>[vector<16xi32>], vector<16xf32>,
        %eq3A_263 = arith.cmpi eq, %gather3A_259, %get3A_254 : vector<16xi32>
        %ge3A_264 = arith.constant 1 : i32
        %ge3A_265 = vector.broadcast %ge3A_264 : i32 to vector<16xi32>
        %ge3A_266 = arith.cmpi sge, %iota3A, %ge3A_265 : vector<16xi32>
        %and3A_267 = arith.andi %eq3A_263, %ge3A_266 : vector<16xi1>
        %max3A_268 = arith.maximumf %get3A_256, %gather3A_262 : vector<16xf32>
        %select_n3A_269 = arith.select %and3A_267, %max3A_268, %get3A_256 : vector<16xi1>, vector<16xf32>
        %gather3A_270 = tpu.vector_load_idx %arg15[%max3A_142] : memref<16xi32, #tpu.memory_space<vmem>>[vector<16xi32>], vector<16xi32>,
        %swap3A_271 = arith.constant 0 : index
        %swap3A_272 = tpu.vector_load %arg16[%swap3A_271] {strides = array<i32>} : memref<16xf32, #tpu.memory_space<vmem>>, vector<16xf32>,
        tpu.vector_store %arg16[%swap3A_271], %select_n3A_269 {strides = array<i32>} : memref<16xf32, #tpu.memory_space<vmem>>, vector<16xf32>,
        %gather3A_273 = tpu.vector_load_idx %arg16[%max3A_142] : memref<16xf32, #tpu.memory_space<vmem>>[vector<16xi32>], vector<16xf32>,
        %eq3A_274 = arith.cmpi eq, %gather3A_270, %get3A_254 : vector<16xi32>
        %ge3A_275 = arith.constant 2 : i32
        %ge3A_276 = vector.broadcast %ge3A_275 : i32 to vector<16xi32>
        %ge3A_277 = arith.cmpi sge, %iota3A, %ge3A_276 : vector<16xi32>
        %and3A_278 = arith.andi %eq3A_274, %ge3A_277 : vector<16xi1>
        %max3A_279 = arith.maximumf %select_n3A_269, %gather3A_273 : vector<16xf32>
        %select_n3A_280 = arith.select %and3A_278, %max3A_279, %select_n3A_269 : vector<16xi1>, vector<16xf32>
        %gather3A_281 = tpu.vector_load_idx %arg15[%max3A_148] : memref<16xi32, #tpu.memory_space<vmem>>[vector<16xi32>], vector<16xi32>,
        %swap3A_282 = arith.constant 0 : index
        %swap3A_283 = tpu.vector_load %arg16[%swap3A_282] {strides = array<i32>} : memref<16xf32, #tpu.memory_space<vmem>>, vector<16xf32>,
        tpu.vector_store %arg16[%swap3A_282], %select_n3A_280 {strides = array<i32>} : memref<16xf32, #tpu.memory_space<vmem>>, vector<16xf32>,
        %gather3A_284 = tpu.vector_load_idx %arg16[%max3A_148] : memref<16xf32, #tpu.memory_space<vmem>>[vector<16xi32>], vector<16xf32>,
        %eq3A_285 = arith.cmpi eq, %gather3A_281, %get3A_254 : vector<16xi32>
        %ge3A_286 = arith.constant 4 : i32
        %ge3A_287 = vector.broadcast %ge3A_286 : i32 to vector<16xi32>
        %ge3A_288 = arith.cmpi sge, %iota3A, %ge3A_287 : vector<16xi32>
        %and3A_289 = arith.andi %eq3A_285, %ge3A_288 : vector<16xi1>
        %max3A_290 = arith.maximumf %select_n3A_280, %gather3A_284 : vector<16xf32>
        %select_n3A_291 = arith.select %and3A_289, %max3A_290, %select_n3A_280 : vector<16xi1>, vector<16xf32>
        %gather3A_292 = tpu.vector_load_idx %arg15[%max3A_154] : memref<16xi32, #tpu.memory_space<vmem>>[vector<16xi32>], vector<16xi32>,
        %swap3A_293 = arith.constant 0 : index
        %swap3A_294 = tpu.vector_load %arg16[%swap3A_293] {strides = array<i32>} : memref<16xf32, #tpu.memory_space<vmem>>, vector<16xf32>,
        tpu.vector_store %arg16[%swap3A_293], %select_n3A_291 {strides = array<i32>} : memref<16xf32, #tpu.memory_space<vmem>>, vector<16xf32>,
        %gather3A_295 = tpu.vector_load_idx %arg16[%max3A_154] : memref<16xf32, #tpu.memory_space<vmem>>[vector<16xi32>], vector<16xf32>,
        %eq3A_296 = arith.cmpi eq, %gather3A_292, %get3A_254 : vector<16xi32>
        %ge3A_297 = arith.constant 8 : i32
        %ge3A_298 = vector.broadcast %ge3A_297 : i32 to vector<16xi32>
        %ge3A_299 = arith.cmpi sge, %iota3A, %ge3A_298 : vector<16xi32>
        %and3A_300 = arith.andi %eq3A_296, %ge3A_299 : vector<16xi1>
        %max3A_301 = arith.maximumf %select_n3A_291, %gather3A_295 : vector<16xf32>
        %select_n3A_302 = arith.select %and3A_300, %max3A_301, %select_n3A_291 : vector<16xi1>, vector<16xf32>
        %gather3A_303 = tpu.vector_load_idx %arg15[%min3A_158] : memref<16xi32, #tpu.memory_space<vmem>>[vector<16xi32>], vector<16xi32>,
        %ne3A_304 = arith.cmpi ne, %gather3A_303, %get3A_254 : vector<16xi32>
        %eq3A_305 = arith.constant 15 : i32
        %eq3A_306 = vector.broadcast %eq3A_305 : i32 to vector<16xi32>
        %eq3A_307 = arith.cmpi eq, %iota3A, %eq3A_306 : vector<16xi32>
        %or3A_308 = arith.ori %ne3A_304, %eq3A_307 : vector<16xi1>
        %gather3A_309 = tpu.vector_load_idx %arg8[%get3A_254] : memref<528xf32, #tpu.memory_space<vmem>>[vector<16xi32>], vector<16xf32>,
        %max3A_310 = arith.maximumf %gather3A_309, %select_n3A_302 : vector<16xf32>
        tpu.vector_store_idx %arg8[%get3A_254], %max3A_310 masked %or3A_308 : memref<528xf32, #tpu.memory_space<vmem>>[vector<16xi32>], vector<16xf32>, vector<16xi1>
      }
      %scan3A_163 = arith.constant 104 : i32
      "tpu.region"() ({
        %run_scoped3A = tpu.sem_alloc : memref<!tpu.dma_semaphore, #tpu.memory_space<semaphore_mem>>
        %dma_start3A = arith.constant 0 : i32
        %dma_start3A_189 = tpu.memref_slice %arg11[%arg1, %dma_start3A] : memref<16x528xf32, #tpu.memory_space<vmem_shared>> -> memref<1x528xf32, #tpu.memory_space<vmem_shared>>
        %dma_start3A_190 = tpu.memref_squeeze %dma_start3A_189 : memref<1x528xf32, #tpu.memory_space<vmem_shared>> -> memref<528xf32, #tpu.memory_space<vmem_shared>>
        %dma_start3A_191 = arith.constant 0 : i32
        %dma_start3A_192 = tpu.memref_slice %arg11[%arg1, %dma_start3A_191] : memref<16x528xf32, #tpu.memory_space<vmem_shared>> -> memref<1x528xf32, #tpu.memory_space<vmem_shared>>
        %dma_start3A_193 = tpu.memref_squeeze %dma_start3A_192 : memref<1x528xf32, #tpu.memory_space<vmem_shared>> -> memref<528xf32, #tpu.memory_space<vmem_shared>>
        tpu.enqueue_dma source(%arg8 : memref<528xf32, #tpu.memory_space<vmem>>) target(%dma_start3A_193 : memref<528xf32, #tpu.memory_space<vmem_shared>>) target_semaphore(%run_scoped3A : memref<!tpu.dma_semaphore, #tpu.memory_space<semaphore_mem>>)
        %dma_wait3A = arith.constant 0 : i32
        %dma_wait3A_194 = tpu.memref_slice %arg11[%arg1, %dma_wait3A] : memref<16x528xf32, #tpu.memory_space<vmem_shared>> -> memref<1x528xf32, #tpu.memory_space<vmem_shared>>
        %dma_wait3A_195 = tpu.memref_squeeze %dma_wait3A_194 : memref<1x528xf32, #tpu.memory_space<vmem_shared>> -> memref<528xf32, #tpu.memory_space<vmem_shared>>
        %dma_wait3A_196 = arith.constant 0 : i32
        %dma_wait3A_197 = tpu.memref_slice %arg11[%arg1, %dma_wait3A_196] : memref<16x528xf32, #tpu.memory_space<vmem_shared>> -> memref<1x528xf32, #tpu.memory_space<vmem_shared>>
        %dma_wait3A_198 = tpu.memref_squeeze %dma_wait3A_197 : memref<1x528xf32, #tpu.memory_space<vmem_shared>> -> memref<528xf32, #tpu.memory_space<vmem_shared>>
        tpu.wait_dma2 semaphore(%run_scoped3A : memref<!tpu.dma_semaphore, #tpu.memory_space<semaphore_mem>>) src(%arg8 : memref<528xf32, #tpu.memory_space<vmem>>) dst(%dma_wait3A_198 : memref<528xf32, #tpu.memory_space<vmem_shared>>)
        tpu.yield
      }) : () -> ()
      %barrier3A = arith.constant 0 : index
      tpu.barrier barrier_id(%barrier3A)
      "tpu.region"() ({
        %run_scoped3A = tpu.sem_alloc : memref<!tpu.dma_semaphore, #tpu.memory_space<semaphore_mem>>
        tpu.enqueue_dma source(%arg11 : memref<16x528xf32, #tpu.memory_space<vmem_shared>>) target(%arg10 : memref<16x528xf32, #tpu.memory_space<vmem>>) target_semaphore(%run_scoped3A : memref<!tpu.dma_semaphore, #tpu.memory_space<semaphore_mem>>)
        tpu.wait_dma2 semaphore(%run_scoped3A : memref<!tpu.dma_semaphore, #tpu.memory_space<semaphore_mem>>) src(%arg11 : memref<16x528xf32, #tpu.memory_space<vmem_shared>>) dst(%arg10 : memref<16x528xf32, #tpu.memory_space<vmem>>)
        tpu.yield
      }) : () -> ()
      %scan3A_164 = arith.constant 0 : i32
      %scan3A_165 = arith.constant 0 : i32
      %scan3A_166 = arith.constant 33 : i32
      %scan3A_167 = arith.addi %scan3A_165, %scan3A_166 : i32
      %scan3A_168 = arith.constant 1 : i32
      scf.for %scan3A_189 = %scan3A_165 to %scan3A_167 step %scan3A_168  : i32 {
        %mul3A_190 = arith.constant 16 : i32
        %mul3A_191 = arith.muli %scan3A_189, %mul3A_190 : i32
        %broadcast_in_dim3A_192 = arith.constant -3.000000e+38 : f32
        %broadcast_in_dim3A_193 = vector.broadcast %broadcast_in_dim3A_192 : f32 to vector<16xf32>
        %get3A = arith.constant 0 : i32
        %get3A_194 = arith.index_cast %get3A : i32 to index
        %get3A_195 = arith.index_cast %mul3A_191 : i32 to index
        %get3A_196 = tpu.vector_load %arg10[%get3A_194, %get3A_195] {strides = array<i32>} : memref<16x528xf32, #tpu.memory_space<vmem>>, vector<16xf32>,
        %max3A_197 = arith.maximumf %broadcast_in_dim3A_193, %get3A_196 : vector<16xf32>
        %get3A_198 = arith.constant 1 : i32
        %get3A_199 = arith.index_cast %get3A_198 : i32 to index
        %get3A_200 = arith.index_cast %mul3A_191 : i32 to index
        %get3A_201 = tpu.vector_load %arg10[%get3A_199, %get3A_200] {strides = array<i32>} : memref<16x528xf32, #tpu.memory_space<vmem>>, vector<16xf32>,
        %max3A_202 = arith.maximumf %max3A_197, %get3A_201 : vector<16xf32>
        %get3A_203 = arith.constant 2 : i32
        %get3A_204 = arith.index_cast %get3A_203 : i32 to index
        %get3A_205 = arith.index_cast %mul3A_191 : i32 to index
        %get3A_206 = tpu.vector_load %arg10[%get3A_204, %get3A_205] {strides = array<i32>} : memref<16x528xf32, #tpu.memory_space<vmem>>, vector<16xf32>,
        %max3A_207 = arith.maximumf %max3A_202, %get3A_206 : vector<16xf32>
        %get3A_208 = arith.constant 3 : i32
        %get3A_209 = arith.index_cast %get3A_208 : i32 to index
        %get3A_210 = arith.index_cast %mul3A_191 : i32 to index
        %get3A_211 = tpu.vector_load %arg10[%get3A_209, %get3A_210] {strides = array<i32>} : memref<16x528xf32, #tpu.memory_space<vmem>>, vector<16xf32>,
        %max3A_212 = arith.maximumf %max3A_207, %get3A_211 : vector<16xf32>
        %get3A_213 = arith.constant 4 : i32
        %get3A_214 = arith.index_cast %get3A_213 : i32 to index
        %get3A_215 = arith.index_cast %mul3A_191 : i32 to index
        %get3A_216 = tpu.vector_load %arg10[%get3A_214, %get3A_215] {strides = array<i32>} : memref<16x528xf32, #tpu.memory_space<vmem>>, vector<16xf32>,
        %max3A_217 = arith.maximumf %max3A_212, %get3A_216 : vector<16xf32>
        %get3A_218 = arith.constant 5 : i32
        %get3A_219 = arith.index_cast %get3A_218 : i32 to index
        %get3A_220 = arith.index_cast %mul3A_191 : i32 to index
        %get3A_221 = tpu.vector_load %arg10[%get3A_219, %get3A_220] {strides = array<i32>} : memref<16x528xf32, #tpu.memory_space<vmem>>, vector<16xf32>,
        %max3A_222 = arith.maximumf %max3A_217, %get3A_221 : vector<16xf32>
        %get3A_223 = arith.constant 6 : i32
        %get3A_224 = arith.index_cast %get3A_223 : i32 to index
        %get3A_225 = arith.index_cast %mul3A_191 : i32 to index
        %get3A_226 = tpu.vector_load %arg10[%get3A_224, %get3A_225] {strides = array<i32>} : memref<16x528xf32, #tpu.memory_space<vmem>>, vector<16xf32>,
        %max3A_227 = arith.maximumf %max3A_222, %get3A_226 : vector<16xf32>
        %get3A_228 = arith.constant 7 : i32
        %get3A_229 = arith.index_cast %get3A_228 : i32 to index
        %get3A_230 = arith.index_cast %mul3A_191 : i32 to index
        %get3A_231 = tpu.vector_load %arg10[%get3A_229, %get3A_230] {strides = array<i32>} : memref<16x528xf32, #tpu.memory_space<vmem>>, vector<16xf32>,
        %max3A_232 = arith.maximumf %max3A_227, %get3A_231 : vector<16xf32>
        %get3A_233 = arith.constant 8 : i32
        %get3A_234 = arith.index_cast %get3A_233 : i32 to index
        %get3A_235 = arith.index_cast %mul3A_191 : i32 to index
        %get3A_236 = tpu.vector_load %arg10[%get3A_234, %get3A_235] {strides = array<i32>} : memref<16x528xf32, #tpu.memory_space<vmem>>, vector<16xf32>,
        %max3A_237 = arith.maximumf %max3A_232, %get3A_236 : vector<16xf32>
        %get3A_238 = arith.constant 9 : i32
        %get3A_239 = arith.index_cast %get3A_238 : i32 to index
        %get3A_240 = arith.index_cast %mul3A_191 : i32 to index
        %get3A_241 = tpu.vector_load %arg10[%get3A_239, %get3A_240] {strides = array<i32>} : memref<16x528xf32, #tpu.memory_space<vmem>>, vector<16xf32>,
        %max3A_242 = arith.maximumf %max3A_237, %get3A_241 : vector<16xf32>
        %get3A_243 = arith.constant 10 : i32
        %get3A_244 = arith.index_cast %get3A_243 : i32 to index
        %get3A_245 = arith.index_cast %mul3A_191 : i32 to index
        %get3A_246 = tpu.vector_load %arg10[%get3A_244, %get3A_245] {strides = array<i32>} : memref<16x528xf32, #tpu.memory_space<vmem>>, vector<16xf32>,
        %max3A_247 = arith.maximumf %max3A_242, %get3A_246 : vector<16xf32>
        %get3A_248 = arith.constant 11 : i32
        %get3A_249 = arith.index_cast %get3A_248 : i32 to index
        %get3A_250 = arith.index_cast %mul3A_191 : i32 to index
        %get3A_251 = tpu.vector_load %arg10[%get3A_249, %get3A_250] {strides = array<i32>} : memref<16x528xf32, #tpu.memory_space<vmem>>, vector<16xf32>,
        %max3A_252 = arith.maximumf %max3A_247, %get3A_251 : vector<16xf32>
        %get3A_253 = arith.constant 12 : i32
        %get3A_254 = arith.index_cast %get3A_253 : i32 to index
        %get3A_255 = arith.index_cast %mul3A_191 : i32 to index
        %get3A_256 = tpu.vector_load %arg10[%get3A_254, %get3A_255] {strides = array<i32>} : memref<16x528xf32, #tpu.memory_space<vmem>>, vector<16xf32>,
        %max3A_257 = arith.maximumf %max3A_252, %get3A_256 : vector<16xf32>
        %get3A_258 = arith.constant 13 : i32
        %get3A_259 = arith.index_cast %get3A_258 : i32 to index
        %get3A_260 = arith.index_cast %mul3A_191 : i32 to index
        %get3A_261 = tpu.vector_load %arg10[%get3A_259, %get3A_260] {strides = array<i32>} : memref<16x528xf32, #tpu.memory_space<vmem>>, vector<16xf32>,
        %max3A_262 = arith.maximumf %max3A_257, %get3A_261 : vector<16xf32>
        %get3A_263 = arith.constant 14 : i32
        %get3A_264 = arith.index_cast %get3A_263 : i32 to index
        %get3A_265 = arith.index_cast %mul3A_191 : i32 to index
        %get3A_266 = tpu.vector_load %arg10[%get3A_264, %get3A_265] {strides = array<i32>} : memref<16x528xf32, #tpu.memory_space<vmem>>, vector<16xf32>,
        %max3A_267 = arith.maximumf %max3A_262, %get3A_266 : vector<16xf32>
        %get3A_268 = arith.constant 15 : i32
        %get3A_269 = arith.index_cast %get3A_268 : i32 to index
        %get3A_270 = arith.index_cast %mul3A_191 : i32 to index
        %get3A_271 = tpu.vector_load %arg10[%get3A_269, %get3A_270] {strides = array<i32>} : memref<16x528xf32, #tpu.memory_space<vmem>>, vector<16xf32>,
        %max3A_272 = arith.maximumf %max3A_267, %get3A_271 : vector<16xf32>
        %gt3A = arith.constant -3.000000e+38 : f32
        %gt3A_273 = vector.broadcast %gt3A : f32 to vector<16xf32>
        %gt3A_274 = arith.cmpf ogt, %max3A_272, %gt3A_273 : vector<16xf32>
        %jit3A = arith.constant 0.000000e+00 : f32
        %broadcast_in_dim3A_275 = vector.broadcast %jit3A : f32 to vector<16xf32>
        %select_n3A = arith.select %gt3A_274, %max3A_272, %broadcast_in_dim3A_275 : vector<16xi1>, vector<16xf32>
        %swap3A_276 = arith.index_cast %mul3A_191 : i32 to index
        %swap3A_277 = tpu.vector_load %arg8[%swap3A_276] {strides = array<i32>} : memref<528xf32, #tpu.memory_space<vmem>>, vector<16xf32>,
        tpu.vector_store %arg8[%swap3A_276], %select_n3A {strides = array<i32>} : memref<528xf32, #tpu.memory_space<vmem>>, vector<16xf32>,
        %broadcast_in_dim3A_278 = arith.constant 0.000000e+00 : f32
        %broadcast_in_dim3A_279 = vector.broadcast %broadcast_in_dim3A_278 : f32 to vector<16xf32>
        %swap3A_280 = arith.index_cast %mul3A_191 : i32 to index
        %swap3A_281 = tpu.vector_load %arg9[%swap3A_280] {strides = array<i32>} : memref<528xf32, #tpu.memory_space<vmem>>, vector<16xf32>,
        tpu.vector_store %arg9[%swap3A_280], %broadcast_in_dim3A_279 {strides = array<i32>} : memref<528xf32, #tpu.memory_space<vmem>>, vector<16xf32>,
      }
      %scan3A_169 = arith.constant 33 : i32
      %scan3A_170 = arith.constant 0 : i32
      %scan3A_171 = arith.constant 0 : i32
      %scan3A_172 = arith.constant 104 : i32
      %scan3A_173 = arith.addi %scan3A_171, %scan3A_172 : i32
      %scan3A_174 = arith.constant 1 : i32
      scf.for %scan3A_189 = %scan3A_171 to %scan3A_173 step %scan3A_174  : i32 {
        %mul3A_190 = arith.constant 2 : i32
        %mul3A_191 = arith.muli %scan3A_189, %mul3A_190 : i32
        %add3A_192 = arith.constant 0 : i32
        %add3A_193 = arith.addi %mul3A_191, %add3A_192 : i32
        %mul3A_194 = arith.constant 16 : i32
        %mul3A_195 = arith.muli %add3A_193, %mul3A_194 : i32
        %get3A = arith.index_cast %mul3A_195 : i32 to index
        %get3A_196 = tpu.vector_load %arg6[%get3A] {strides = array<i32>} : memref<3328xi32, #tpu.memory_space<vmem>>, vector<16xi32>,
        %get3A_197 = arith.index_cast %mul3A_195 : i32 to index
        %get3A_198 = tpu.vector_load %arg5[%get3A_197] {strides = array<i32>} : memref<3328xf32, #tpu.memory_space<vmem>>, vector<16xf32>,
        %gather3A = tpu.vector_load_idx %arg8[%get3A_196] : memref<528xf32, #tpu.memory_space<vmem>>[vector<16xi32>], vector<16xf32>,
        %sub3A_199 = arith.subf %get3A_198, %gather3A : vector<16xf32>
        %exp3A = math.exp %sub3A_199 : vector<16xf32>
        %swap3A_200 = arith.index_cast %mul3A_195 : i32 to index
        %swap3A_201 = tpu.vector_load %arg7[%swap3A_200] {strides = array<i32>} : memref<3328xf32, #tpu.memory_space<vmem>>, vector<16xf32>,
        tpu.vector_store %arg7[%swap3A_200], %exp3A {strides = array<i32>} : memref<3328xf32, #tpu.memory_space<vmem>>, vector<16xf32>,
        %swap3A_202 = arith.constant 0 : index
        %swap3A_203 = tpu.vector_load %arg13[%swap3A_202] {strides = array<i32>} : memref<16xi32, #tpu.memory_space<vmem>>, vector<16xi32>,
        tpu.vector_store %arg13[%swap3A_202], %get3A_196 {strides = array<i32>} : memref<16xi32, #tpu.memory_space<vmem>>, vector<16xi32>,
        %gather3A_204 = tpu.vector_load_idx %arg13[%max3A_136] : memref<16xi32, #tpu.memory_space<vmem>>[vector<16xi32>], vector<16xi32>,
        %swap3A_205 = arith.constant 0 : index
        %swap3A_206 = tpu.vector_load %arg14[%swap3A_205] {strides = array<i32>} : memref<16xf32, #tpu.memory_space<vmem>>, vector<16xf32>,
        tpu.vector_store %arg14[%swap3A_205], %exp3A {strides = array<i32>} : memref<16xf32, #tpu.memory_space<vmem>>, vector<16xf32>,
        %gather3A_207 = tpu.vector_load_idx %arg14[%max3A_136] : memref<16xf32, #tpu.memory_space<vmem>>[vector<16xi32>], vector<16xf32>,
        %eq3A_208 = arith.cmpi eq, %gather3A_204, %get3A_196 : vector<16xi32>
        %ge3A = arith.constant 1 : i32
        %ge3A_209 = vector.broadcast %ge3A : i32 to vector<16xi32>
        %ge3A_210 = arith.cmpi sge, %iota3A, %ge3A_209 : vector<16xi32>
        %and3A = arith.andi %eq3A_208, %ge3A_210 : vector<16xi1>
        %add3A_211 = arith.addf %exp3A, %gather3A_207 : vector<16xf32>
        %select_n3A = arith.select %and3A, %add3A_211, %exp3A : vector<16xi1>, vector<16xf32>
        %gather3A_212 = tpu.vector_load_idx %arg13[%max3A_142] : memref<16xi32, #tpu.memory_space<vmem>>[vector<16xi32>], vector<16xi32>,
        %swap3A_213 = arith.constant 0 : index
        %swap3A_214 = tpu.vector_load %arg14[%swap3A_213] {strides = array<i32>} : memref<16xf32, #tpu.memory_space<vmem>>, vector<16xf32>,
        tpu.vector_store %arg14[%swap3A_213], %select_n3A {strides = array<i32>} : memref<16xf32, #tpu.memory_space<vmem>>, vector<16xf32>,
        %gather3A_215 = tpu.vector_load_idx %arg14[%max3A_142] : memref<16xf32, #tpu.memory_space<vmem>>[vector<16xi32>], vector<16xf32>,
        %eq3A_216 = arith.cmpi eq, %gather3A_212, %get3A_196 : vector<16xi32>
        %ge3A_217 = arith.constant 2 : i32
        %ge3A_218 = vector.broadcast %ge3A_217 : i32 to vector<16xi32>
        %ge3A_219 = arith.cmpi sge, %iota3A, %ge3A_218 : vector<16xi32>
        %and3A_220 = arith.andi %eq3A_216, %ge3A_219 : vector<16xi1>
        %add3A_221 = arith.addf %select_n3A, %gather3A_215 : vector<16xf32>
        %select_n3A_222 = arith.select %and3A_220, %add3A_221, %select_n3A : vector<16xi1>, vector<16xf32>
        %gather3A_223 = tpu.vector_load_idx %arg13[%max3A_148] : memref<16xi32, #tpu.memory_space<vmem>>[vector<16xi32>], vector<16xi32>,
        %swap3A_224 = arith.constant 0 : index
        %swap3A_225 = tpu.vector_load %arg14[%swap3A_224] {strides = array<i32>} : memref<16xf32, #tpu.memory_space<vmem>>, vector<16xf32>,
        tpu.vector_store %arg14[%swap3A_224], %select_n3A_222 {strides = array<i32>} : memref<16xf32, #tpu.memory_space<vmem>>, vector<16xf32>,
        %gather3A_226 = tpu.vector_load_idx %arg14[%max3A_148] : memref<16xf32, #tpu.memory_space<vmem>>[vector<16xi32>], vector<16xf32>,
        %eq3A_227 = arith.cmpi eq, %gather3A_223, %get3A_196 : vector<16xi32>
        %ge3A_228 = arith.constant 4 : i32
        %ge3A_229 = vector.broadcast %ge3A_228 : i32 to vector<16xi32>
        %ge3A_230 = arith.cmpi sge, %iota3A, %ge3A_229 : vector<16xi32>
        %and3A_231 = arith.andi %eq3A_227, %ge3A_230 : vector<16xi1>
        %add3A_232 = arith.addf %select_n3A_222, %gather3A_226 : vector<16xf32>
        %select_n3A_233 = arith.select %and3A_231, %add3A_232, %select_n3A_222 : vector<16xi1>, vector<16xf32>
        %gather3A_234 = tpu.vector_load_idx %arg13[%max3A_154] : memref<16xi32, #tpu.memory_space<vmem>>[vector<16xi32>], vector<16xi32>,
        %swap3A_235 = arith.constant 0 : index
        %swap3A_236 = tpu.vector_load %arg14[%swap3A_235] {strides = array<i32>} : memref<16xf32, #tpu.memory_space<vmem>>, vector<16xf32>,
        tpu.vector_store %arg14[%swap3A_235], %select_n3A_233 {strides = array<i32>} : memref<16xf32, #tpu.memory_space<vmem>>, vector<16xf32>,
        %gather3A_237 = tpu.vector_load_idx %arg14[%max3A_154] : memref<16xf32, #tpu.memory_space<vmem>>[vector<16xi32>], vector<16xf32>,
        %eq3A_238 = arith.cmpi eq, %gather3A_234, %get3A_196 : vector<16xi32>
        %ge3A_239 = arith.constant 8 : i32
        %ge3A_240 = vector.broadcast %ge3A_239 : i32 to vector<16xi32>
        %ge3A_241 = arith.cmpi sge, %iota3A, %ge3A_240 : vector<16xi32>
        %and3A_242 = arith.andi %eq3A_238, %ge3A_241 : vector<16xi1>
        %add3A_243 = arith.addf %select_n3A_233, %gather3A_237 : vector<16xf32>
        %select_n3A_244 = arith.select %and3A_242, %add3A_243, %select_n3A_233 : vector<16xi1>, vector<16xf32>
        %gather3A_245 = tpu.vector_load_idx %arg13[%min3A_158] : memref<16xi32, #tpu.memory_space<vmem>>[vector<16xi32>], vector<16xi32>,
        %ne3A = arith.cmpi ne, %gather3A_245, %get3A_196 : vector<16xi32>
        %eq3A_246 = arith.constant 15 : i32
        %eq3A_247 = vector.broadcast %eq3A_246 : i32 to vector<16xi32>
        %eq3A_248 = arith.cmpi eq, %iota3A, %eq3A_247 : vector<16xi32>
        %or3A = arith.ori %ne3A, %eq3A_248 : vector<16xi1>
        %gather3A_249 = tpu.vector_load_idx %arg9[%get3A_196] : memref<528xf32, #tpu.memory_space<vmem>>[vector<16xi32>], vector<16xf32>,
        %add3A_250 = arith.addf %gather3A_249, %select_n3A_244 : vector<16xf32>
        tpu.vector_store_idx %arg9[%get3A_196], %add3A_250 masked %or3A : memref<528xf32, #tpu.memory_space<vmem>>[vector<16xi32>], vector<16xf32>, vector<16xi1>
        %mul3A_251 = arith.constant 2 : i32
        %mul3A_252 = arith.muli %scan3A_189, %mul3A_251 : i32
        %add3A_253 = arith.constant 1 : i32
        %add3A_254 = arith.addi %mul3A_252, %add3A_253 : i32
        %mul3A_255 = arith.constant 16 : i32
        %mul3A_256 = arith.muli %add3A_254, %mul3A_255 : i32
        %get3A_257 = arith.index_cast %mul3A_256 : i32 to index
        %get3A_258 = tpu.vector_load %arg6[%get3A_257] {strides = array<i32>} : memref<3328xi32, #tpu.memory_space<vmem>>, vector<16xi32>,
        %get3A_259 = arith.index_cast %mul3A_256 : i32 to index
        %get3A_260 = tpu.vector_load %arg5[%get3A_259] {strides = array<i32>} : memref<3328xf32, #tpu.memory_space<vmem>>, vector<16xf32>,
        %gather3A_261 = tpu.vector_load_idx %arg8[%get3A_258] : memref<528xf32, #tpu.memory_space<vmem>>[vector<16xi32>], vector<16xf32>,
        %sub3A_262 = arith.subf %get3A_260, %gather3A_261 : vector<16xf32>
        %exp3A_263 = math.exp %sub3A_262 : vector<16xf32>
        %swap3A_264 = arith.index_cast %mul3A_256 : i32 to index
        %swap3A_265 = tpu.vector_load %arg7[%swap3A_264] {strides = array<i32>} : memref<3328xf32, #tpu.memory_space<vmem>>, vector<16xf32>,
        tpu.vector_store %arg7[%swap3A_264], %exp3A_263 {strides = array<i32>} : memref<3328xf32, #tpu.memory_space<vmem>>, vector<16xf32>,
        %swap3A_266 = arith.constant 0 : index
        %swap3A_267 = tpu.vector_load %arg15[%swap3A_266] {strides = array<i32>} : memref<16xi32, #tpu.memory_space<vmem>>, vector<16xi32>,
        tpu.vector_store %arg15[%swap3A_266], %get3A_258 {strides = array<i32>} : memref<16xi32, #tpu.memory_space<vmem>>, vector<16xi32>,
        %gather3A_268 = tpu.vector_load_idx %arg15[%max3A_136] : memref<16xi32, #tpu.memory_space<vmem>>[vector<16xi32>], vector<16xi32>,
        %swap3A_269 = arith.constant 0 : index
        %swap3A_270 = tpu.vector_load %arg16[%swap3A_269] {strides = array<i32>} : memref<16xf32, #tpu.memory_space<vmem>>, vector<16xf32>,
        tpu.vector_store %arg16[%swap3A_269], %exp3A_263 {strides = array<i32>} : memref<16xf32, #tpu.memory_space<vmem>>, vector<16xf32>,
        %gather3A_271 = tpu.vector_load_idx %arg16[%max3A_136] : memref<16xf32, #tpu.memory_space<vmem>>[vector<16xi32>], vector<16xf32>,
        %eq3A_272 = arith.cmpi eq, %gather3A_268, %get3A_258 : vector<16xi32>
        %ge3A_273 = arith.constant 1 : i32
        %ge3A_274 = vector.broadcast %ge3A_273 : i32 to vector<16xi32>
        %ge3A_275 = arith.cmpi sge, %iota3A, %ge3A_274 : vector<16xi32>
        %and3A_276 = arith.andi %eq3A_272, %ge3A_275 : vector<16xi1>
        %add3A_277 = arith.addf %exp3A_263, %gather3A_271 : vector<16xf32>
        %select_n3A_278 = arith.select %and3A_276, %add3A_277, %exp3A_263 : vector<16xi1>, vector<16xf32>
        %gather3A_279 = tpu.vector_load_idx %arg15[%max3A_142] : memref<16xi32, #tpu.memory_space<vmem>>[vector<16xi32>], vector<16xi32>,
        %swap3A_280 = arith.constant 0 : index
        %swap3A_281 = tpu.vector_load %arg16[%swap3A_280] {strides = array<i32>} : memref<16xf32, #tpu.memory_space<vmem>>, vector<16xf32>,
        tpu.vector_store %arg16[%swap3A_280], %select_n3A_278 {strides = array<i32>} : memref<16xf32, #tpu.memory_space<vmem>>, vector<16xf32>,
        %gather3A_282 = tpu.vector_load_idx %arg16[%max3A_142] : memref<16xf32, #tpu.memory_space<vmem>>[vector<16xi32>], vector<16xf32>,
        %eq3A_283 = arith.cmpi eq, %gather3A_279, %get3A_258 : vector<16xi32>
        %ge3A_284 = arith.constant 2 : i32
        %ge3A_285 = vector.broadcast %ge3A_284 : i32 to vector<16xi32>
        %ge3A_286 = arith.cmpi sge, %iota3A, %ge3A_285 : vector<16xi32>
        %and3A_287 = arith.andi %eq3A_283, %ge3A_286 : vector<16xi1>
        %add3A_288 = arith.addf %select_n3A_278, %gather3A_282 : vector<16xf32>
        %select_n3A_289 = arith.select %and3A_287, %add3A_288, %select_n3A_278 : vector<16xi1>, vector<16xf32>
        %gather3A_290 = tpu.vector_load_idx %arg15[%max3A_148] : memref<16xi32, #tpu.memory_space<vmem>>[vector<16xi32>], vector<16xi32>,
        %swap3A_291 = arith.constant 0 : index
        %swap3A_292 = tpu.vector_load %arg16[%swap3A_291] {strides = array<i32>} : memref<16xf32, #tpu.memory_space<vmem>>, vector<16xf32>,
        tpu.vector_store %arg16[%swap3A_291], %select_n3A_289 {strides = array<i32>} : memref<16xf32, #tpu.memory_space<vmem>>, vector<16xf32>,
        %gather3A_293 = tpu.vector_load_idx %arg16[%max3A_148] : memref<16xf32, #tpu.memory_space<vmem>>[vector<16xi32>], vector<16xf32>,
        %eq3A_294 = arith.cmpi eq, %gather3A_290, %get3A_258 : vector<16xi32>
        %ge3A_295 = arith.constant 4 : i32
        %ge3A_296 = vector.broadcast %ge3A_295 : i32 to vector<16xi32>
        %ge3A_297 = arith.cmpi sge, %iota3A, %ge3A_296 : vector<16xi32>
        %and3A_298 = arith.andi %eq3A_294, %ge3A_297 : vector<16xi1>
        %add3A_299 = arith.addf %select_n3A_289, %gather3A_293 : vector<16xf32>
        %select_n3A_300 = arith.select %and3A_298, %add3A_299, %select_n3A_289 : vector<16xi1>, vector<16xf32>
        %gather3A_301 = tpu.vector_load_idx %arg15[%max3A_154] : memref<16xi32, #tpu.memory_space<vmem>>[vector<16xi32>], vector<16xi32>,
        %swap3A_302 = arith.constant 0 : index
        %swap3A_303 = tpu.vector_load %arg16[%swap3A_302] {strides = array<i32>} : memref<16xf32, #tpu.memory_space<vmem>>, vector<16xf32>,
        tpu.vector_store %arg16[%swap3A_302], %select_n3A_300 {strides = array<i32>} : memref<16xf32, #tpu.memory_space<vmem>>, vector<16xf32>,
        %gather3A_304 = tpu.vector_load_idx %arg16[%max3A_154] : memref<16xf32, #tpu.memory_space<vmem>>[vector<16xi32>], vector<16xf32>,
        %eq3A_305 = arith.cmpi eq, %gather3A_301, %get3A_258 : vector<16xi32>
        %ge3A_306 = arith.constant 8 : i32
        %ge3A_307 = vector.broadcast %ge3A_306 : i32 to vector<16xi32>
        %ge3A_308 = arith.cmpi sge, %iota3A, %ge3A_307 : vector<16xi32>
        %and3A_309 = arith.andi %eq3A_305, %ge3A_308 : vector<16xi1>
        %add3A_310 = arith.addf %select_n3A_300, %gather3A_304 : vector<16xf32>
        %select_n3A_311 = arith.select %and3A_309, %add3A_310, %select_n3A_300 : vector<16xi1>, vector<16xf32>
        %gather3A_312 = tpu.vector_load_idx %arg15[%min3A_158] : memref<16xi32, #tpu.memory_space<vmem>>[vector<16xi32>], vector<16xi32>,
        %ne3A_313 = arith.cmpi ne, %gather3A_312, %get3A_258 : vector<16xi32>
        %eq3A_314 = arith.constant 15 : i32
        %eq3A_315 = vector.broadcast %eq3A_314 : i32 to vector<16xi32>
        %eq3A_316 = arith.cmpi eq, %iota3A, %eq3A_315 : vector<16xi32>
        %or3A_317 = arith.ori %ne3A_313, %eq3A_316 : vector<16xi1>
        %gather3A_318 = tpu.vector_load_idx %arg9[%get3A_258] : memref<528xf32, #tpu.memory_space<vmem>>[vector<16xi32>], vector<16xf32>,
        %add3A_319 = arith.addf %gather3A_318, %select_n3A_311 : vector<16xf32>
        tpu.vector_store_idx %arg9[%get3A_258], %add3A_319 masked %or3A_317 : memref<528xf32, #tpu.memory_space<vmem>>[vector<16xi32>], vector<16xf32>, vector<16xi1>
      }
      %scan3A_175 = arith.constant 104 : i32
      "tpu.region"() ({
        %run_scoped3A = tpu.sem_alloc : memref<!tpu.dma_semaphore, #tpu.memory_space<semaphore_mem>>
        %dma_start3A = arith.constant 0 : i32
        %dma_start3A_189 = tpu.memref_slice %arg12[%arg1, %dma_start3A] : memref<16x528xf32, #tpu.memory_space<vmem_shared>> -> memref<1x528xf32, #tpu.memory_space<vmem_shared>>
        %dma_start3A_190 = tpu.memref_squeeze %dma_start3A_189 : memref<1x528xf32, #tpu.memory_space<vmem_shared>> -> memref<528xf32, #tpu.memory_space<vmem_shared>>
        %dma_start3A_191 = arith.constant 0 : i32
        %dma_start3A_192 = tpu.memref_slice %arg12[%arg1, %dma_start3A_191] : memref<16x528xf32, #tpu.memory_space<vmem_shared>> -> memref<1x528xf32, #tpu.memory_space<vmem_shared>>
        %dma_start3A_193 = tpu.memref_squeeze %dma_start3A_192 : memref<1x528xf32, #tpu.memory_space<vmem_shared>> -> memref<528xf32, #tpu.memory_space<vmem_shared>>
        tpu.enqueue_dma source(%arg9 : memref<528xf32, #tpu.memory_space<vmem>>) target(%dma_start3A_193 : memref<528xf32, #tpu.memory_space<vmem_shared>>) target_semaphore(%run_scoped3A : memref<!tpu.dma_semaphore, #tpu.memory_space<semaphore_mem>>)
        %dma_wait3A = arith.constant 0 : i32
        %dma_wait3A_194 = tpu.memref_slice %arg12[%arg1, %dma_wait3A] : memref<16x528xf32, #tpu.memory_space<vmem_shared>> -> memref<1x528xf32, #tpu.memory_space<vmem_shared>>
        %dma_wait3A_195 = tpu.memref_squeeze %dma_wait3A_194 : memref<1x528xf32, #tpu.memory_space<vmem_shared>> -> memref<528xf32, #tpu.memory_space<vmem_shared>>
        %dma_wait3A_196 = arith.constant 0 : i32
        %dma_wait3A_197 = tpu.memref_slice %arg12[%arg1, %dma_wait3A_196] : memref<16x528xf32, #tpu.memory_space<vmem_shared>> -> memref<1x528xf32, #tpu.memory_space<vmem_shared>>
        %dma_wait3A_198 = tpu.memref_squeeze %dma_wait3A_197 : memref<1x528xf32, #tpu.memory_space<vmem_shared>> -> memref<528xf32, #tpu.memory_space<vmem_shared>>
        tpu.wait_dma2 semaphore(%run_scoped3A : memref<!tpu.dma_semaphore, #tpu.memory_space<semaphore_mem>>) src(%arg9 : memref<528xf32, #tpu.memory_space<vmem>>) dst(%dma_wait3A_198 : memref<528xf32, #tpu.memory_space<vmem_shared>>)
        tpu.yield
      }) : () -> ()
      %barrier3A_176 = arith.constant 0 : index
      tpu.barrier barrier_id(%barrier3A_176)
      "tpu.region"() ({
        %run_scoped3A = tpu.sem_alloc : memref<!tpu.dma_semaphore, #tpu.memory_space<semaphore_mem>>
        tpu.enqueue_dma source(%arg12 : memref<16x528xf32, #tpu.memory_space<vmem_shared>>) target(%arg10 : memref<16x528xf32, #tpu.memory_space<vmem>>) target_semaphore(%run_scoped3A : memref<!tpu.dma_semaphore, #tpu.memory_space<semaphore_mem>>)
        tpu.wait_dma2 semaphore(%run_scoped3A : memref<!tpu.dma_semaphore, #tpu.memory_space<semaphore_mem>>) src(%arg12 : memref<16x528xf32, #tpu.memory_space<vmem_shared>>) dst(%arg10 : memref<16x528xf32, #tpu.memory_space<vmem>>)
        tpu.yield
      }) : () -> ()
      %scan3A_177 = arith.constant 0 : i32
      %scan3A_178 = arith.constant 0 : i32
      %scan3A_179 = arith.constant 33 : i32
      %scan3A_180 = arith.addi %scan3A_178, %scan3A_179 : i32
      %scan3A_181 = arith.constant 1 : i32
      scf.for %scan3A_189 = %scan3A_178 to %scan3A_180 step %scan3A_181  : i32 {
        %mul3A_190 = arith.constant 16 : i32
        %mul3A_191 = arith.muli %scan3A_189, %mul3A_190 : i32
        %broadcast_in_dim3A_192 = arith.constant 0.000000e+00 : f32
        %broadcast_in_dim3A_193 = vector.broadcast %broadcast_in_dim3A_192 : f32 to vector<16xf32>
        %get3A = arith.constant 0 : i32
        %get3A_194 = arith.index_cast %get3A : i32 to index
        %get3A_195 = arith.index_cast %mul3A_191 : i32 to index
        %get3A_196 = tpu.vector_load %arg10[%get3A_194, %get3A_195] {strides = array<i32>} : memref<16x528xf32, #tpu.memory_space<vmem>>, vector<16xf32>,
        %add3A_197 = arith.addf %broadcast_in_dim3A_193, %get3A_196 : vector<16xf32>
        %get3A_198 = arith.constant 1 : i32
        %get3A_199 = arith.index_cast %get3A_198 : i32 to index
        %get3A_200 = arith.index_cast %mul3A_191 : i32 to index
        %get3A_201 = tpu.vector_load %arg10[%get3A_199, %get3A_200] {strides = array<i32>} : memref<16x528xf32, #tpu.memory_space<vmem>>, vector<16xf32>,
        %add3A_202 = arith.addf %add3A_197, %get3A_201 : vector<16xf32>
        %get3A_203 = arith.constant 2 : i32
        %get3A_204 = arith.index_cast %get3A_203 : i32 to index
        %get3A_205 = arith.index_cast %mul3A_191 : i32 to index
        %get3A_206 = tpu.vector_load %arg10[%get3A_204, %get3A_205] {strides = array<i32>} : memref<16x528xf32, #tpu.memory_space<vmem>>, vector<16xf32>,
        %add3A_207 = arith.addf %add3A_202, %get3A_206 : vector<16xf32>
        %get3A_208 = arith.constant 3 : i32
        %get3A_209 = arith.index_cast %get3A_208 : i32 to index
        %get3A_210 = arith.index_cast %mul3A_191 : i32 to index
        %get3A_211 = tpu.vector_load %arg10[%get3A_209, %get3A_210] {strides = array<i32>} : memref<16x528xf32, #tpu.memory_space<vmem>>, vector<16xf32>,
        %add3A_212 = arith.addf %add3A_207, %get3A_211 : vector<16xf32>
        %get3A_213 = arith.constant 4 : i32
        %get3A_214 = arith.index_cast %get3A_213 : i32 to index
        %get3A_215 = arith.index_cast %mul3A_191 : i32 to index
        %get3A_216 = tpu.vector_load %arg10[%get3A_214, %get3A_215] {strides = array<i32>} : memref<16x528xf32, #tpu.memory_space<vmem>>, vector<16xf32>,
        %add3A_217 = arith.addf %add3A_212, %get3A_216 : vector<16xf32>
        %get3A_218 = arith.constant 5 : i32
        %get3A_219 = arith.index_cast %get3A_218 : i32 to index
        %get3A_220 = arith.index_cast %mul3A_191 : i32 to index
        %get3A_221 = tpu.vector_load %arg10[%get3A_219, %get3A_220] {strides = array<i32>} : memref<16x528xf32, #tpu.memory_space<vmem>>, vector<16xf32>,
        %add3A_222 = arith.addf %add3A_217, %get3A_221 : vector<16xf32>
        %get3A_223 = arith.constant 6 : i32
        %get3A_224 = arith.index_cast %get3A_223 : i32 to index
        %get3A_225 = arith.index_cast %mul3A_191 : i32 to index
        %get3A_226 = tpu.vector_load %arg10[%get3A_224, %get3A_225] {strides = array<i32>} : memref<16x528xf32, #tpu.memory_space<vmem>>, vector<16xf32>,
        %add3A_227 = arith.addf %add3A_222, %get3A_226 : vector<16xf32>
        %get3A_228 = arith.constant 7 : i32
        %get3A_229 = arith.index_cast %get3A_228 : i32 to index
        %get3A_230 = arith.index_cast %mul3A_191 : i32 to index
        %get3A_231 = tpu.vector_load %arg10[%get3A_229, %get3A_230] {strides = array<i32>} : memref<16x528xf32, #tpu.memory_space<vmem>>, vector<16xf32>,
        %add3A_232 = arith.addf %add3A_227, %get3A_231 : vector<16xf32>
        %get3A_233 = arith.constant 8 : i32
        %get3A_234 = arith.index_cast %get3A_233 : i32 to index
        %get3A_235 = arith.index_cast %mul3A_191 : i32 to index
        %get3A_236 = tpu.vector_load %arg10[%get3A_234, %get3A_235] {strides = array<i32>} : memref<16x528xf32, #tpu.memory_space<vmem>>, vector<16xf32>,
        %add3A_237 = arith.addf %add3A_232, %get3A_236 : vector<16xf32>
        %get3A_238 = arith.constant 9 : i32
        %get3A_239 = arith.index_cast %get3A_238 : i32 to index
        %get3A_240 = arith.index_cast %mul3A_191 : i32 to index
        %get3A_241 = tpu.vector_load %arg10[%get3A_239, %get3A_240] {strides = array<i32>} : memref<16x528xf32, #tpu.memory_space<vmem>>, vector<16xf32>,
        %add3A_242 = arith.addf %add3A_237, %get3A_241 : vector<16xf32>
        %get3A_243 = arith.constant 10 : i32
        %get3A_244 = arith.index_cast %get3A_243 : i32 to index
        %get3A_245 = arith.index_cast %mul3A_191 : i32 to index
        %get3A_246 = tpu.vector_load %arg10[%get3A_244, %get3A_245] {strides = array<i32>} : memref<16x528xf32, #tpu.memory_space<vmem>>, vector<16xf32>,
        %add3A_247 = arith.addf %add3A_242, %get3A_246 : vector<16xf32>
        %get3A_248 = arith.constant 11 : i32
        %get3A_249 = arith.index_cast %get3A_248 : i32 to index
        %get3A_250 = arith.index_cast %mul3A_191 : i32 to index
        %get3A_251 = tpu.vector_load %arg10[%get3A_249, %get3A_250] {strides = array<i32>} : memref<16x528xf32, #tpu.memory_space<vmem>>, vector<16xf32>,
        %add3A_252 = arith.addf %add3A_247, %get3A_251 : vector<16xf32>
        %get3A_253 = arith.constant 12 : i32
        %get3A_254 = arith.index_cast %get3A_253 : i32 to index
        %get3A_255 = arith.index_cast %mul3A_191 : i32 to index
        %get3A_256 = tpu.vector_load %arg10[%get3A_254, %get3A_255] {strides = array<i32>} : memref<16x528xf32, #tpu.memory_space<vmem>>, vector<16xf32>,
        %add3A_257 = arith.addf %add3A_252, %get3A_256 : vector<16xf32>
        %get3A_258 = arith.constant 13 : i32
        %get3A_259 = arith.index_cast %get3A_258 : i32 to index
        %get3A_260 = arith.index_cast %mul3A_191 : i32 to index
        %get3A_261 = tpu.vector_load %arg10[%get3A_259, %get3A_260] {strides = array<i32>} : memref<16x528xf32, #tpu.memory_space<vmem>>, vector<16xf32>,
        %add3A_262 = arith.addf %add3A_257, %get3A_261 : vector<16xf32>
        %get3A_263 = arith.constant 14 : i32
        %get3A_264 = arith.index_cast %get3A_263 : i32 to index
        %get3A_265 = arith.index_cast %mul3A_191 : i32 to index
        %get3A_266 = tpu.vector_load %arg10[%get3A_264, %get3A_265] {strides = array<i32>} : memref<16x528xf32, #tpu.memory_space<vmem>>, vector<16xf32>,
        %add3A_267 = arith.addf %add3A_262, %get3A_266 : vector<16xf32>
        %get3A_268 = arith.constant 15 : i32
        %get3A_269 = arith.index_cast %get3A_268 : i32 to index
        %get3A_270 = arith.index_cast %mul3A_191 : i32 to index
        %get3A_271 = tpu.vector_load %arg10[%get3A_269, %get3A_270] {strides = array<i32>} : memref<16x528xf32, #tpu.memory_space<vmem>>, vector<16xf32>,
        %add3A_272 = arith.addf %add3A_267, %get3A_271 : vector<16xf32>
        %swap3A_273 = arith.index_cast %mul3A_191 : i32 to index
        %swap3A_274 = tpu.vector_load %arg9[%swap3A_273] {strides = array<i32>} : memref<528xf32, #tpu.memory_space<vmem>>, vector<16xf32>,
        tpu.vector_store %arg9[%swap3A_273], %add3A_272 {strides = array<i32>} : memref<528xf32, #tpu.memory_space<vmem>>, vector<16xf32>,
      }
      %scan3A_182 = arith.constant 33 : i32
      %scan3A_183 = arith.constant 0 : i32
      %scan3A_184 = arith.constant 0 : i32
      %scan3A_185 = arith.constant 52 : i32
      %scan3A_186 = arith.addi %scan3A_184, %scan3A_185 : i32
      %scan3A_187 = arith.constant 1 : i32
      scf.for %scan3A_189 = %scan3A_184 to %scan3A_186 step %scan3A_187  : i32 {
        %mul3A_190 = arith.constant 4 : i32
        %mul3A_191 = arith.muli %scan3A_189, %mul3A_190 : i32
        %add3A_192 = arith.constant 0 : i32
        %add3A_193 = arith.addi %mul3A_191, %add3A_192 : i32
        %mul3A_194 = arith.constant 16 : i32
        %mul3A_195 = arith.muli %add3A_193, %mul3A_194 : i32
        %get3A = arith.index_cast %mul3A_195 : i32 to index
        %get3A_196 = tpu.vector_load %arg6[%get3A] {strides = array<i32>} : memref<3328xi32, #tpu.memory_space<vmem>>, vector<16xi32>,
        %gather3A = tpu.vector_load_idx %arg9[%get3A_196] : memref<528xf32, #tpu.memory_space<vmem>>[vector<16xi32>], vector<16xf32>,
        %get3A_197 = arith.index_cast %mul3A_195 : i32 to index
        %get3A_198 = tpu.vector_load %arg7[%get3A_197] {strides = array<i32>} : memref<3328xf32, #tpu.memory_space<vmem>>, vector<16xf32>,
        %add3A_199 = arith.constant 1.000000e-16 : f32
        %add3A_200 = vector.broadcast %add3A_199 : f32 to vector<16xf32>
        %add3A_201 = arith.addf %gather3A, %add3A_200 : vector<16xf32>
        %div3A = arith.divf %get3A_198, %add3A_201 : vector<16xf32>
        %swap3A_202 = arith.index_cast %mul3A_195 : i32 to index
        %swap3A_203 = tpu.vector_load %arg7[%swap3A_202] {strides = array<i32>} : memref<3328xf32, #tpu.memory_space<vmem>>, vector<16xf32>,
        tpu.vector_store %arg7[%swap3A_202], %div3A {strides = array<i32>} : memref<3328xf32, #tpu.memory_space<vmem>>, vector<16xf32>,
        %mul3A_204 = arith.constant 4 : i32
        %mul3A_205 = arith.muli %scan3A_189, %mul3A_204 : i32
        %add3A_206 = arith.constant 1 : i32
        %add3A_207 = arith.addi %mul3A_205, %add3A_206 : i32
        %mul3A_208 = arith.constant 16 : i32
        %mul3A_209 = arith.muli %add3A_207, %mul3A_208 : i32
        %get3A_210 = arith.index_cast %mul3A_209 : i32 to index
        %get3A_211 = tpu.vector_load %arg6[%get3A_210] {strides = array<i32>} : memref<3328xi32, #tpu.memory_space<vmem>>, vector<16xi32>,
        %gather3A_212 = tpu.vector_load_idx %arg9[%get3A_211] : memref<528xf32, #tpu.memory_space<vmem>>[vector<16xi32>], vector<16xf32>,
        %get3A_213 = arith.index_cast %mul3A_209 : i32 to index
        %get3A_214 = tpu.vector_load %arg7[%get3A_213] {strides = array<i32>} : memref<3328xf32, #tpu.memory_space<vmem>>, vector<16xf32>,
        %add3A_215 = arith.constant 1.000000e-16 : f32
        %add3A_216 = vector.broadcast %add3A_215 : f32 to vector<16xf32>
        %add3A_217 = arith.addf %gather3A_212, %add3A_216 : vector<16xf32>
        %div3A_218 = arith.divf %get3A_214, %add3A_217 : vector<16xf32>
        %swap3A_219 = arith.index_cast %mul3A_209 : i32 to index
        %swap3A_220 = tpu.vector_load %arg7[%swap3A_219] {strides = array<i32>} : memref<3328xf32, #tpu.memory_space<vmem>>, vector<16xf32>,
        tpu.vector_store %arg7[%swap3A_219], %div3A_218 {strides = array<i32>} : memref<3328xf32, #tpu.memory_space<vmem>>, vector<16xf32>,
        %mul3A_221 = arith.constant 4 : i32
        %mul3A_222 = arith.muli %scan3A_189, %mul3A_221 : i32
        %add3A_223 = arith.constant 2 : i32
        %add3A_224 = arith.addi %mul3A_222, %add3A_223 : i32
        %mul3A_225 = arith.constant 16 : i32
        %mul3A_226 = arith.muli %add3A_224, %mul3A_225 : i32
        %get3A_227 = arith.index_cast %mul3A_226 : i32 to index
        %get3A_228 = tpu.vector_load %arg6[%get3A_227] {strides = array<i32>} : memref<3328xi32, #tpu.memory_space<vmem>>, vector<16xi32>,
        %gather3A_229 = tpu.vector_load_idx %arg9[%get3A_228] : memref<528xf32, #tpu.memory_space<vmem>>[vector<16xi32>], vector<16xf32>,
        %get3A_230 = arith.index_cast %mul3A_226 : i32 to index
        %get3A_231 = tpu.vector_load %arg7[%get3A_230] {strides = array<i32>} : memref<3328xf32, #tpu.memory_space<vmem>>, vector<16xf32>,
        %add3A_232 = arith.constant 1.000000e-16 : f32
        %add3A_233 = vector.broadcast %add3A_232 : f32 to vector<16xf32>
        %add3A_234 = arith.addf %gather3A_229, %add3A_233 : vector<16xf32>
        %div3A_235 = arith.divf %get3A_231, %add3A_234 : vector<16xf32>
        %swap3A_236 = arith.index_cast %mul3A_226 : i32 to index
        %swap3A_237 = tpu.vector_load %arg7[%swap3A_236] {strides = array<i32>} : memref<3328xf32, #tpu.memory_space<vmem>>, vector<16xf32>,
        tpu.vector_store %arg7[%swap3A_236], %div3A_235 {strides = array<i32>} : memref<3328xf32, #tpu.memory_space<vmem>>, vector<16xf32>,
        %mul3A_238 = arith.constant 4 : i32
        %mul3A_239 = arith.muli %scan3A_189, %mul3A_238 : i32
        %add3A_240 = arith.constant 3 : i32
        %add3A_241 = arith.addi %mul3A_239, %add3A_240 : i32
        %mul3A_242 = arith.constant 16 : i32
        %mul3A_243 = arith.muli %add3A_241, %mul3A_242 : i32
        %get3A_244 = arith.index_cast %mul3A_243 : i32 to index
        %get3A_245 = tpu.vector_load %arg6[%get3A_244] {strides = array<i32>} : memref<3328xi32, #tpu.memory_space<vmem>>, vector<16xi32>,
        %gather3A_246 = tpu.vector_load_idx %arg9[%get3A_245] : memref<528xf32, #tpu.memory_space<vmem>>[vector<16xi32>], vector<16xf32>,
        %get3A_247 = arith.index_cast %mul3A_243 : i32 to index
        %get3A_248 = tpu.vector_load %arg7[%get3A_247] {strides = array<i32>} : memref<3328xf32, #tpu.memory_space<vmem>>, vector<16xf32>,
        %add3A_249 = arith.constant 1.000000e-16 : f32
        %add3A_250 = vector.broadcast %add3A_249 : f32 to vector<16xf32>
        %add3A_251 = arith.addf %gather3A_246, %add3A_250 : vector<16xf32>
        %div3A_252 = arith.divf %get3A_248, %add3A_251 : vector<16xf32>
        %swap3A_253 = arith.index_cast %mul3A_243 : i32 to index
        %swap3A_254 = tpu.vector_load %arg7[%swap3A_253] {strides = array<i32>} : memref<3328xf32, #tpu.memory_space<vmem>>, vector<16xf32>,
        tpu.vector_store %arg7[%swap3A_253], %div3A_252 {strides = array<i32>} : memref<3328xf32, #tpu.memory_space<vmem>>, vector<16xf32>,
      }
      %scan3A_188 = arith.constant 52 : i32
      "tpu.region"() ({
        %run_scoped3A = tpu.sem_alloc : memref<!tpu.dma_semaphore, #tpu.memory_space<semaphore_mem>>
        %dma_start3A = tpu.memref_slice %arg4[%mul3A_2] : memref<53248xf32, #tpu.memory_space<hbm>> -> memref<3328xf32, #tpu.memory_space<hbm>>
        %dma_start3A_189 = tpu.memref_slice %arg4[%mul3A_2] : memref<53248xf32, #tpu.memory_space<hbm>> -> memref<3328xf32, #tpu.memory_space<hbm>>
        tpu.enqueue_dma source(%arg7 : memref<3328xf32, #tpu.memory_space<vmem>>) target(%dma_start3A_189 : memref<3328xf32, #tpu.memory_space<hbm>>) target_semaphore(%run_scoped3A : memref<!tpu.dma_semaphore, #tpu.memory_space<semaphore_mem>>)
        %dma_wait3A = tpu.memref_slice %arg4[%mul3A_2] : memref<53248xf32, #tpu.memory_space<hbm>> -> memref<3328xf32, #tpu.memory_space<hbm>>
        %dma_wait3A_190 = tpu.memref_slice %arg4[%mul3A_2] : memref<53248xf32, #tpu.memory_space<hbm>> -> memref<3328xf32, #tpu.memory_space<hbm>>
        tpu.wait_dma2 semaphore(%run_scoped3A : memref<!tpu.dma_semaphore, #tpu.memory_space<semaphore_mem>>) src(%arg7 : memref<3328xf32, #tpu.memory_space<vmem>>) dst(%dma_wait3A_190 : memref<3328xf32, #tpu.memory_space<hbm>>)
        tpu.yield
      }) : () -> ()
    } else {
    }
    return
  }
}

module attributes {stable_mosaic.version = 14 : i64} {
  func.func @_k3_body(%arg0: i32, %arg1: memref<4096x256xf32, #tpu.memory_space<vmem>>, %arg2: memref<4096xi32, #tpu.memory_space<vmem>>, %arg3: memref<512x103xf32, #tpu.memory_space<vmem>>, %arg4: memref<359x32xf32, #tpu.memory_space<vmem>>, %arg5: memref<1x32xf32, #tpu.memory_space<vmem>>, %arg6: memref<32x1xf32, #tpu.memory_space<vmem>>, %arg7: memref<1x1xf32, #tpu.memory_space<vmem>>, %arg8: memref<4096xf32, #tpu.memory_space<vmem>>, %arg9: memref<512x32xbf16, #tpu.memory_space<vmem>>) attributes {dimension_semantics = [#tpu.dimension_semantics<arbitrary>], iteration_bounds = array<i64: 13>, scalar_prefetch = 0 : i64, scratch_operands = 1 : i64, tpu.core_type = #tpu.core_type<tc>, window_params = [{transform_indices = @transform_0, window_bounds = array<i64: 4096, 256>}, {transform_indices = @transform_1, window_bounds = array<i64: 4096>}, {pipeline_mode = #tpu.pipeline_mode<synchronous>, transform_indices = @transform_2, window_bounds = array<i64: 512, 103>}, {pipeline_mode = #tpu.pipeline_mode<synchronous>, transform_indices = @transform_3, window_bounds = array<i64: 359, 32>}, {pipeline_mode = #tpu.pipeline_mode<synchronous>, transform_indices = @transform_4, window_bounds = array<i64: 1, 32>}, {pipeline_mode = #tpu.pipeline_mode<synchronous>, transform_indices = @transform_5, window_bounds = array<i64: 32, 1>}, {pipeline_mode = #tpu.pipeline_mode<synchronous>, transform_indices = @transform_6, window_bounds = array<i64: 1, 1>}, {transform_indices = @transform_7, window_bounds = array<i64: 4096>}]} {
    %eq3A = arith.constant 0 : i32
    %eq3A_0 = arith.cmpi eq, %arg0, %eq3A : i32
    %convert_element_type3A = arith.extui %eq3A_0 : i1 to i32
    %cond3A = arith.constant 0 : i32
    %cond3A_1 = arith.cmpi ne, %convert_element_type3A, %cond3A : i32
    scf.if %cond3A_1 {
      %get3A_40 = arith.constant 0 : index
      %get3A_41 = arith.constant 0 : index
      %get3A_42 = vector.load %arg3[%get3A_40, %get3A_41] : memref<512x103xf32, #tpu.memory_space<vmem>>, vector<512x103xf32>
      %get3A_43 = arith.constant 256 : index
      %get3A_44 = arith.constant 0 : index
      %get3A_45 = vector.load %arg4[%get3A_43, %get3A_44] : memref<359x32xf32, #tpu.memory_space<vmem>>, vector<103x32xf32>
      %dot_general3A_46 = arith.constant dense<0.000000e+00> : vector<512x32xf32>
      %dot_general3A_47 = tpu.matmul %get3A_42, %get3A_45, %dot_general3A_46 {dimension_numbers = #tpu.dot_dimension_numbers<[1], [0], [0], [1], [0, 0, 1, 1], [], []>, transpose_lhs_hint = false} : vector<512x103xf32>, vector<103x32xf32>, vector<512x32xf32> -> vector<512x32xf32>
      %get3A_48 = arith.constant 0 : index
      %get3A_49 = arith.constant 0 : index
      %get3A_50 = vector.load %arg5[%get3A_48, %get3A_49] : memref<1x32xf32, #tpu.memory_space<vmem>>, vector<1x32xf32>
      %add3A_51 = vector.broadcast %get3A_50 : vector<1x32xf32> to vector<512x32xf32>
      %add3A_52 = arith.addf %dot_general3A_47, %add3A_51 : vector<512x32xf32>
      %convert_element_type3A_53 = arith.truncf %add3A_52 : vector<512x32xf32> to vector<512x32xbf16>
      %swap3A_54 = arith.constant 0 : index
      %swap3A_55 = arith.constant 0 : index
      %swap3A_56 = vector.load %arg9[%swap3A_54, %swap3A_55] : memref<512x32xbf16, #tpu.memory_space<vmem>>, vector<512x32xbf16>
      tpu.vector_store %arg9[%swap3A_54, %swap3A_55], %convert_element_type3A_53 {strides = array<i32>} : memref<512x32xbf16, #tpu.memory_space<vmem>>, vector<512x32xbf16>,
    } else {
    }
    %get3A = arith.constant 0 : index
    %get3A_2 = vector.load %arg2[%get3A] : memref<4096xi32, #tpu.memory_space<vmem>>, vector<4096xi32>
    %reshape3A = vector.shape_cast %get3A_2 : vector<4096xi32> to vector<1x4096xi32>
    %min3A = arith.constant 511 : i32
    %min3A_3 = vector.broadcast %min3A : i32 to vector<1x4096xi32>
    %min3A_4 = arith.minsi %reshape3A, %min3A_3 : vector<1x4096xi32>
    %iota3A = tpu.iota {dimensions = array<i32: 0>} : vector<512x4096xi32>
    %eq3A_5 = vector.broadcast %min3A_4 : vector<1x4096xi32> to vector<512x4096xi32>
    %eq3A_6 = arith.cmpi eq, %eq3A_5, %iota3A : vector<512x4096xi32>
    %convert_element_type3A_7 = arith.extui %eq3A_6 : vector<512x4096xi1> to vector<512x4096xi32>
    %convert_element_type3A_8 = arith.sitofp %convert_element_type3A_7 : vector<512x4096xi32> to vector<512x4096xf32>
    %convert_element_type3A_9 = arith.truncf %convert_element_type3A_8 : vector<512x4096xf32> to vector<512x4096xbf16>
    %get3A_10 = arith.constant 0 : index
    %get3A_11 = arith.constant 0 : index
    %get3A_12 = vector.load %arg1[%get3A_10, %get3A_11] : memref<4096x256xf32, #tpu.memory_space<vmem>>, vector<4096x256xf32>
    %get3A_13 = arith.constant 0 : index
    %get3A_14 = arith.constant 0 : index
    %get3A_15 = vector.load %arg4[%get3A_13, %get3A_14] : memref<359x32xf32, #tpu.memory_space<vmem>>, vector<256x32xf32>
    %dot_general3A = arith.constant dense<0.000000e+00> : vector<4096x32xf32>
    %dot_general3A_16 = tpu.matmul %get3A_12, %get3A_15, %dot_general3A {dimension_numbers = #tpu.dot_dimension_numbers<[1], [0], [0], [1], [0, 0, 1, 1], [], []>, transpose_lhs_hint = false} : vector<4096x256xf32>, vector<256x32xf32>, vector<4096x32xf32> -> vector<4096x32xf32>
    %get3A_17 = arith.constant 0 : index
    %get3A_18 = arith.constant 0 : index
    %get3A_19 = vector.load %arg9[%get3A_17, %get3A_18] : memref<512x32xbf16, #tpu.memory_space<vmem>>, vector<512x32xbf16>
    %dot_general3A_20 = arith.constant dense<0.000000e+00> : vector<4096x32xf32>
    %dot_general3A_21 = tpu.matmul %convert_element_type3A_9, %get3A_19, %dot_general3A_20 {dimension_numbers = #tpu.dot_dimension_numbers<[0], [0], [1], [1], [0, 1, 1, 1], [], []>, transpose_lhs_hint = false} : vector<512x4096xbf16>, vector<512x32xbf16>, vector<4096x32xf32> -> vector<4096x32xf32>
    %add3A = arith.addf %dot_general3A_16, %dot_general3A_21 : vector<4096x32xf32>
    %custom_jvp_call3A = arith.constant 0.000000e+00 : f32
    %max3A = vector.broadcast %custom_jvp_call3A : f32 to vector<4096x32xf32>
    %max3A_22 = arith.maximumf %add3A, %max3A : vector<4096x32xf32>
    %sub3A = vector.broadcast %custom_jvp_call3A : f32 to vector<4096x32xf32>
    %sub3A_23 = arith.subf %add3A, %sub3A : vector<4096x32xf32>
    %ne3A = arith.cmpf one, %sub3A_23, %sub3A_23 : vector<4096x32xf32>
    %add3A_24 = vector.broadcast %custom_jvp_call3A : f32 to vector<4096x32xf32>
    %add3A_25 = arith.addf %add3A, %add3A_24 : vector<4096x32xf32>
    %abs3A = math.absf %sub3A_23 : vector<4096x32xf32>
    %neg3A = arith.constant 0.000000e+00 : f32
    %neg3A_26 = vector.broadcast %neg3A : f32 to vector<4096x32xf32>
    %neg3A_27 = arith.subf %neg3A_26, %abs3A : vector<4096x32xf32>
    %exp3A = math.exp %neg3A_27 : vector<4096x32xf32>
    %log1p3A = math.log1p %exp3A : vector<4096x32xf32>
    %add3A_28 = arith.addf %max3A_22, %log1p3A : vector<4096x32xf32>
    %select_n3A = arith.select %ne3A, %add3A_25, %add3A_28 : vector<4096x32xi1>, vector<4096x32xf32>
    %get3A_29 = arith.constant 0 : index
    %get3A_30 = arith.constant 0 : index
    %get3A_31 = vector.load %arg6[%get3A_29, %get3A_30] : memref<32x1xf32, #tpu.memory_space<vmem>>, vector<32x1xf32>
    %dot_general3A_32 = arith.constant dense<0.000000e+00> : vector<1x4096xf32>
    %dot_general3A_33 = tpu.matmul %get3A_31, %select_n3A, %dot_general3A_32 {dimension_numbers = #tpu.dot_dimension_numbers<[0], [1], [1], [0], [0, 1, 1, 0], [], []>, transpose_lhs_hint = false} : vector<32x1xf32>, vector<4096x32xf32>, vector<1x4096xf32> -> vector<1x4096xf32>
    %get3A_34 = arith.constant 0 : index
    %get3A_35 = arith.constant 0 : index
    %get3A_36 = vector.load %arg7[%get3A_34, %get3A_35] : memref<1x1xf32, #tpu.memory_space<vmem>>, vector<1x1xf32>
    %add3A_37 = vector.broadcast %get3A_36 : vector<1x1xf32> to vector<1x4096xf32>
    %add3A_38 = arith.addf %dot_general3A_33, %add3A_37 : vector<1x4096xf32>
    %squeeze3A = vector.shape_cast %add3A_38 : vector<1x4096xf32> to vector<4096xf32>
    %swap3A = arith.constant 0 : index
    %swap3A_39 = vector.load %arg8[%swap3A] : memref<4096xf32, #tpu.memory_space<vmem>>, vector<4096xf32>
    tpu.vector_store %arg8[%swap3A], %squeeze3A {strides = array<i32>} : memref<4096xf32, #tpu.memory_space<vmem>>, vector<4096xf32>,
    return
  }
  func.func @transform_0(%arg0: i32) -> (i32, i32) {
    %c0_i32 = arith.constant 0 : i32
    %c0_i32_0 = arith.constant 0 : i32
    return %arg0, %c0_i32 : i32, i32
  }
  func.func @transform_1(%arg0: i32) -> i32 {
    %c0_i32 = arith.constant 0 : i32
    return %arg0 : i32
  }
  func.func @transform_2(%arg0: i32) -> (i32, i32) {
    %c0_i32 = arith.constant 0 : i32
    %c0_i32_0 = arith.constant 0 : i32
    %c0_i32_1 = arith.constant 0 : i32
    return %c0_i32, %c0_i32_0 : i32, i32
  }
  func.func @transform_3(%arg0: i32) -> (i32, i32) {
    %c0_i32 = arith.constant 0 : i32
    %c0_i32_0 = arith.constant 0 : i32
    %c0_i32_1 = arith.constant 0 : i32
    return %c0_i32, %c0_i32_0 : i32, i32
  }
  func.func @transform_4(%arg0: i32) -> (i32, i32) {
    %c0_i32 = arith.constant 0 : i32
    %c0_i32_0 = arith.constant 0 : i32
    %c0_i32_1 = arith.constant 0 : i32
    return %c0_i32, %c0_i32_0 : i32, i32
  }
  func.func @transform_5(%arg0: i32) -> (i32, i32) {
    %c0_i32 = arith.constant 0 : i32
    %c0_i32_0 = arith.constant 0 : i32
    %c0_i32_1 = arith.constant 0 : i32
    return %c0_i32, %c0_i32_0 : i32, i32
  }
  func.func @transform_6(%arg0: i32) -> (i32, i32) {
    %c0_i32 = arith.constant 0 : i32
    %c0_i32_0 = arith.constant 0 : i32
    %c0_i32_1 = arith.constant 0 : i32
    return %c0_i32, %c0_i32_0 : i32, i32
  }
  func.func @transform_7(%arg0: i32) -> i32 {
    %c0_i32 = arith.constant 0 : i32
    return %arg0 : i32
  }
}

</mosaic_0001>

<sc_bundles>
// kernel: kernel.4.cloned.1.call-start
scs
__scs_entry_jumppad:
0x0: {  	(pc) =	sbr.rel $0x88, $3  }
0x1: {  	(tag) =	ssettag $0x0;
	lr =	simm.s32 $0x1  }
0x2: {  	[smem:$0x3F9A] =	sst lr;
	_ =	strace $0xD0000000  }
0x3: {  	_ = 	snop  }
0x4: {  	_ = 	snop  }
0x5: {  	_ = 	snop  }
0x6: {  	_ = 	snop  }
0x7: {  	_ = 	snop  }
__scs_overlays_trampoline_lowered:
0x8: {  	[smem:$0x3FA9] =	sst s0  }
0x9: {  	[smem:$0x3FAA] =	sst s1  }
0xa: {  	[smem:$0x3FAB] =	sst s2  }
0xb: {  	[smem:$0x3FAC] =	sst s3  }
0xc: {  	[smem:$0x3FAD] =	sst s4  }
0xd: {  	[smem:$0x3FAE] =	sst s5  }
0xe: {  	[smem:$0x3FAF] =	sst s6  }
0xf: {  	[smem:$0x3FB0] =	sst s7  }
0x10: {  	[smem:$0x3FB1] =	sst s8  }
0x11: {  	[smem:$0x3FB2] =	sst s9;
	s0 =	simm.s32 @!p0 $0x0  }
0x12: {  	s1 =	sld [smem:$0x3F98];
	s0 =	simm.s32 @p0 $0x1  }
0x13: {  	[smem:$0x3FB3] =	sst s0;
	s0 =	simm.s32 @!p1 $0x0  }
0x14: {  	s2 =	sld [smem:$0x3F97];
	s0 =	simm.s32 @p1 $0x1  }
0x15: {  	[smem:$0x3FB4] =	sst s0;
	s0 =	simm.s32 @!p2 $0x0  }
0x16: {  	s3 =	sld [smem:$0x3FDB];
	s0 =	simm.s32 @p2 $0x1  }
0x17: {  	s4 =	simm.s32 $0x1BF5;
	[smem:$0x3FB6] =	sst s0  }
0x18: {  	s0 =	sld [smem:$0x3F99];
	_ =	swait.ge [sflag:s4], $0x0  }
0x19: {  	s7 =	sld [smem:$0x3F9A]  }
0x1a: {  	s8 =	sadd.s32 $0xFFFFE003, lr  }
0x1b: {  	s9 =	sadd.s32 $0xFFFFFEF7, lr;
	s5 =	simm.s32 $0xFFFFFFFF;
	p2 =	slt.u32 s8, $0xFFFFF086  }
0x1c: {  	p1 =	slt.u32 s9, $0xF7A;
	s5 =	simm.s32 @!p2 $0x0  }
0x1d: {  	s5 =	simm.s32 @p1 $0x1;
	p0 =	seq.s32 s7, s2  }
0x1e: {  	s7 =	smul.u32 @!p0 $0xF7A, s2;
	p2 =	seq.s32 @!p0 s5, $0x0  }
0x1f: {  	s9 =	smul.u32 $0xF7A, s1;
	s8 =	simm.s32 @!p0 $0x1BF5;
	p2 =	por !p2, p0  }
0x20: {  	[sflag:s8] =	ssyncset.s32 @!p0 $0xFFFFF086;
	s6 =	sadd.s32 @!p0 s3, s7;
	s7 =	simm.s32 @!p0 $0x108  }
0x21: {  	s3 =	sadd.s32 s3, s9;
	s6 =	sadd.s32 @!p0 $0x88, s6;
	s7 =	simm.s32 @p2 $0x1082  }
0x22: {  	[simem:s7], [sflag:s8] =	dma.local @!p0 [hbm:s6], $0xF7A  }
0x23: {  	s9 =	sor.u32 $0xD0000000, s2;
	s6 =	simm.s32 $0x108;
	_ =	swait.ge @!p0 [sflag:s8], $0x0  }
0x24: {  	s3 =	sadd.s32 $0x88, s3;
	s6 =	simm.s32 @!p1 $0x1082;
	[sflag:s4] =	ssyncset.s32 $0xFFFFF086  }
0x25: {  	[simem:s6], [sflag:s4] =	dma.local [hbm:s3], $0xF7A  }
0x26: {  	[smem:$0x3F9A] =	sst s1;
	(tag) =	ssettag s2;
	_ =	strace s9  }
0x27: {  	s1 =	sld [smem:$0x3FAA]  }
0x28: {  	s2 =	sld [smem:$0x3FAB]  }
0x29: {  	s4 =	sld [smem:$0x3FAD]  }
0x2a: {  	p0 =	seq.s32 s5, $0x0;
	s5 =	sld [smem:$0x3FAE]  }
0x2b: {  	s6 =	sld [smem:$0x3FAF]  }
0x2c: {  	s7 =	sld [smem:$0x3FB0]  }
0x2d: {  	s3 =	simm.s32 $0x108;
	s8 =	sld [smem:$0x3FB1]  }
0x2e: {  	s3 =	simm.s32 @!p0 $0x1082;
	s9 =	sld [smem:$0x3FB2]  }
0x2f: {  	lr =	sadd.s32 s0, s3;
	s0 =	sld [smem:$0x3FA9]  }
0x30: {  	s3 =	sld [smem:$0x3FAC]  }
0x31: {  	[smem:$0x3FB5] =	sst s10  }
0x32: {  	s10 =	sld [smem:$0x3FB3];
	_ =	sdelay $0x3  }
0x33: {  	p0 =	seq.s32 s10, $0x1;
	s10 =	sld [smem:$0x3FB5];
	_ =	sdelay $0x3  }
0x34: {  	[smem:$0x3FB5] =	sst s10  }
0x35: {  	s10 =	sld [smem:$0x3FB4];
	_ =	sdelay $0x3  }
0x36: {  	p1 =	seq.s32 s10, $0x1;
	s10 =	sld [smem:$0x3FB5];
	_ =	sdelay $0x3  }
0x37: {  	[smem:$0x3FB5] =	sst s10  }
0x38: {  	s10 =	sld [smem:$0x3FB6]  }
0x39: {  	_ = 	snop;
	(pc) =	sbr.ind lr, $3  }
0x3a: {  	_ = 	snop  }
0x3b: {  	_ = 	snop  }
0x3c: {  	p2 =	seq.s32 s10, $0x1;
	s10 =	sld [smem:$0x3FB5]  }
0x3d: {  	_ =	shalt  }
0x3e: {  	_ =	shalt  }
0x3f: {  	_ =	shalt  }
0x40: {  	_ =	shalt  }
0x41: {  	_ =	shalt  }
0x42: {  	_ =	shalt  }
0x43: {  	_ =	shalt  }
0x44: {  	_ =	shalt  }
0x45: {  	_ =	shalt  }
0x46: {  	_ =	shalt  }
0x47: {  	_ =	shalt  }
0x48: {  	_ =	shalt  }
0x49: {  	_ =	shalt  }
0x4a: {  	_ =	shalt  }
0x4b: {  	_ =	shalt  }
0x4c: {  	_ =	shalt  }
0x4d: {  	_ =	shalt  }
0x4e: {  	_ =	shalt  }
0x4f: {  	_ =	shalt  }
0x50: {  	_ =	shalt  }
0x51: {  	_ =	shalt  }
0x52: {  	_ =	shalt  }
0x53: {  	_ =	shalt  }
0x54: {  	_ =	shalt  }
0x55: {  	_ =	shalt  }
0x56: {  	_ =	shalt  }
0x57: {  	_ =	shalt  }
0x58: {  	_ =	shalt  }
0x59: {  	_ =	shalt  }
0x5a: {  	_ =	shalt  }
0x5b: {  	_ =	shalt  }
0x5c: {  	_ =	shalt  }
0x5d: {  	_ =	shalt  }
0x5e: {  	_ =	shalt  }
0x5f: {  	_ =	shalt  }
0x60: {  	_ =	shalt  }
0x61: {  	_ =	shalt  }
0x62: {  	_ =	shalt  }
0x63: {  	_ =	shalt  }
0x64: {  	_ =	shalt  }
0x65: {  	_ =	shalt  }
0x66: {  	_ =	shalt  }
0x67: {  	_ =	shalt  }
0x68: {  	_ =	shalt  }
0x69: {  	_ =	shalt  }
0x6a: {  	_ =	shalt  }
0x6b: {  	_ =	shalt  }
0x6c: {  	_ =	shalt  }
0x6d: {  	_ =	shalt  }
0x6e: {  	_ =	shalt  }
0x6f: {  	_ =	shalt  }
0x70: {  	_ =	shalt  }
0x71: {  	_ =	shalt  }
0x72: {  	_ =	shalt  }
0x73: {  	_ =	shalt  }
0x74: {  	_ =	shalt  }
0x75: {  	_ =	shalt  }
0x76: {  	_ =	shalt  }
0x77: {  	_ =	shalt  }
0x78: {  	_ =	shalt  }
0x79: {  	_ =	shalt  }
0x7a: {  	_ =	shalt  }
0x7b: {  	_ =	shalt  }
0x7c: {  	_ =	shalt  }
0x7d: {  	_ =	shalt  }
0x7e: {  	_ =	shalt  }
0x7f: {  	_ =	shalt  }
0x80: {  	_ =	shalt  }
0x81: {  	_ =	shalt  }
0x82: {  	_ =	shalt  }
0x83: {  	_ =	shalt  }
0x84: {  	_ =	shalt  }
0x85: {  	_ =	shalt  }
0x86: {  	_ =	shalt  }
0x87: {  	_ =	shalt  }
.Lfunc_end0:
.L_simem_size_0:
called_computation_lowered:
.L_overlay_start_0:
0x88: {  	s2 =	sld [smem:$0x3FD9]  }
0x89: {  	s3 =	sld [smem:$0x3FFE];
	_ =	sdelay $0x1  }
0x8a: {  	s1 =	srdreg.scid  }
0x8b: {  	s0 =	sand.u32 $0x1, s1  }
0x8c: {  	s16 =	sshll.u32 s0, $0xA;
	s2 =	sadd.s32 s3, s2  }
0x8d: {  	s2 =	sadd.s32 s2, s16  }
0x8e: {  	[smem:$0x3FC1] =	sst s2  }
0x8f: {  	_ = 	snop  }
0x90: {  	(tm) =	ssettm $0x1  }
0x91: {  	s17 =	sld [smem:$0x3FFB];
	_ =	sdelay $0x3  }
0x92: {  	_ =	strace s17  }
0x93: {  	s2 =	sld [smem:$0x3FFC];
	_ =	sdelay $0x3  }
0x94: {  	_ =	strace s2  }
0x95: {  	s2 =	sld [smem:$0x3FFD];
	_ =	sdelay $0x3  }
0x96: {  	_ =	strace s2  }
0x97: {  	_ =	strace $0x8FFFFFFF  }
0x98: {  	s18 =	sld [smem:$0x3FDB];
	_ =	sdelay $0x1  }
0x99: {  	s19 =	simm.s32 $_scs_section_size  }
0x9a: {  	s4 =	simm.s32 $_size__tile_overlayer_lowered;
	s5 =	simm.s32 $_tile_overlayer_lowered  }
0x9b: {  	s22 =	simm.s32 $0x1BFF;
	s21 =	sshll.u32 s5, $0x1;
	s2 =	sadd.s32 s19, s18  }
0x9c: {  	s6 =	simm.s32 $0x0;
	s20 =	sshll.u32 s4, $0x1;
	s4 =	sadd.s32 s21, s2  }
0x9d: {  	[timem:s6], [sflag:s22] =	dma.local [hbm:s4], s20  }
0x9e: {  	_ =	swait.ge [sflag:s22], s20  }
0x9f: {  	s3 =	ssub.s32 $0x0, s20;
	[sflag:s22] =	ssyncset.done $0x0  }
0xa0: {  	[sflag:s22] =	ssyncadd.s32 s3;
	_ =	sdelay $0x1  }
0xa1: {  	s23 =	simm.s32 $0x1B8B  }
0xa2: {  	_ =	swait.ge [sflag:s23], $0x1  }
0xa3: {  	[sflag:s23] =	ssyncset.done $0x0  }
0xa4: {  	s25 =	simm.s32 $0x1B8E;
	s24 =	sld [smem:$0x3FFE];
	[sflag:s23] =	ssyncadd.s32 $0xFFFFFFFF  }
0xa5: {  	s26 =	simm.s32 $execute0_lowered;
	[smem:$0x3FD2] =	sst s25  }
0xa6: {  	s4 =	sshll.u32 s26, $0x1;
	_ =	strace $0x80000046;
	[dreg:$0x1] =	wrdreg $0xFFFFFFFF  }
0xa7: {  	s28 =	simm.s32 $_size_execute0_lowered;
	s2 =	sadd.s32 s2, s4;
	[dreg:$0x0] =	wrdreg $0x0  }
0xa8: {  	s4 =	sshll.u32 s28, $0x1;
	[dreg:$0x2] =	wrdreg s2  }
0xa9: {  	[dreg:$0x3] =	wrdreg s4  }
0xaa: {  	[dreg:$0x4] =	wrdreg $0xC0  }
0xab: {  	_ =	task [dreg:s6], $0x5FFFF  }
0xac: {  	[dreg:$0x1] =	wrdreg $0xFFFFFFFF  }
0xad: {  	[dreg:$0x0] =	wrdreg $0x60  }
0xae: {  	[dreg:$0x2] =	wrdreg s24  }
0xaf: {  	[dreg:$0x3] =	wrdreg $0x54000  }
0xb0: {  	[dreg:$0x4] =	wrdreg $0x56100  }
0xb1: {  	[dreg:$0x5] =	wrdreg $0x9  }
0xb2: {  	_ =	task.clear_ibuf [dreg:s6], $0x6FFFF;
	_ =	strace $0x90000046  }
0xb3: {  	s29 =	simm.s32 $0x9;
	_ =	strace $0x80000048  }
0xb4: {  	_ =	swait.ge [sflag:s29], $0x1  }
0xb5: {  	[sflag:s29] =	ssyncadd.s32 $0xFFFFFFFF  }
0xb6: {  	_ =	strace $0x90000048  }
0xb7: {  	_ =	sfence  }
0xb8: {  	s30 =	sld [smem:$0x0];
	_ =	sdelay $0x2  }
0xb9: {  	s31 =	sshll.u32 s1, $0xD;
	s1 =	sshrl.u32 s1, $0x2  }
0xba: {  	s3 =	sand.u32 $0x4000, s31;
	s1 =	sadd.s32 s1, s30  }
0xbb: {  	s0 =	sor.u32 s3, s0;
	s1 =	sshll.u32 s1, $0x11  }
0xbc: {  	s0 =	sor.u32 s1, s0  }
0xbd: {  	s0 =	sadd.s32 $0x8F2B, s0  }
0xbe: {  	[sflag:s0] =	ssyncadd.remote.s32 $0x1  }
0xbf: {  	_ =	sfence.sel $0xFFFF  }
0xc0: {  	[dreg:$0x0] =	wrdreg $0xFFFFFFFF;
	(pc) =	sbr.abs _section_cstart, $3  }
0xc1: {  	[dreg:$0x1] =	wrdreg $0xFFFFFFFF  }
0xc2: {  	_ =	task.clear_ibuf [dreg:s6], $0x2FFFF;
	_ =	strace $0x9FFFFFFF  }
0xc3: {  	(tm) =	ssettm $0x7FFFFFFF  }
tec
execute0_lowered:
.L_overlay_start_1:
0x0: {  	(tag) =	ssettag $0x1  }
0x1: {  	s1 =	srdreg.scid  }
0x2: {  	s1 =	sand.u32 $0x1, s1  }
0x3: {  	p0 =	seq.s32 s1, $0x1  }
.Ltmp0:
0x4: {  	s2 =	rddreg [dreg:$0x0];
	(pc) =	sbr.rel @p0 .LBB2_12-.Ltmp0, $4  }
0x5: {  	s5 =	rddreg [dreg:$0x1]  }
0x6: {  	s3 =	rddreg [dreg:$0x2];
	s6 =	simm.s32 $0x0  }
0x7: {  	[smem:$0x7FF] =	sst s6  }
0x8: {  	s0 =	rddreg [dreg:$0x3];
	_ =	strace $0x80000047;
	s1 =	stileid.u32  }
0x9: {  	s4 =	smul.u32 $0x1A0, s1  }
0xa: {  	s7 =	sadd.s32 $0x2400, s2  }
0xb: {  	s26 =	simm.s32 $0x1;
	s7 =	sadd.s32 s7, s4  }
0xc: {  	[tilespmem:s6], [sflag:$0x1] =	stream.linear.gather [hbm4b:s7+s6], $0xD00, $0x38;
	[tilespmem:$0x5A20] =	vst v63  }
0xd: {  	_ =	swait.ge [sflag:s26], $0xD00  }
0xe: {  	s8 =	sadd.s32 $0xA00, s2;
	[sflag:s26] =	ssyncset.done $0x0  }
0xf: {  	s9 =	simm.s32 $0xD00;
	s8 =	sadd.s32 s8, s4;
	[sflag:s26] =	ssyncadd.s32 $0xFFFFF300  }
0x10: {  	[tilespmem:s9], [sflag:$0x1] =	stream.linear.gather [hbm4b:s8+s6], $0xD00, $0x38;
	[tilespmem:$0x5A20] =	vst v63  }
0x11: {  	_ =	swait.ge [sflag:s26], $0xD00  }
0x12: {  	[sflag:s26] =	ssyncset.done $0x0  }
0x13: {  	v4 =	vimm.f32 $-3.000000010e+38;
	[sflag:s26] =	ssyncadd.s32 $0xFFFFF300  }
0x14: {  	[tilespmem:$0x2710] =	vst v4  }
0x15: {  	[tilespmem:$0x2720] =	vst v4  }
0x16: {  	[tilespmem:$0x2730] =	vst v4  }
0x17: {  	[tilespmem:$0x2740] =	vst v4  }
0x18: {  	[tilespmem:$0x2750] =	vst v4  }
0x19: {  	[tilespmem:$0x2760] =	vst v4  }
0x1a: {  	[tilespmem:$0x2770] =	vst v4  }
0x1b: {  	[tilespmem:$0x2780] =	vst v4  }
0x1c: {  	[tilespmem:$0x2790] =	vst v4  }
0x1d: {  	[tilespmem:$0x27A0] =	vst v4  }
0x1e: {  	[tilespmem:$0x27B0] =	vst v4  }
0x1f: {  	[tilespmem:$0x27C0] =	vst v4  }
0x20: {  	[tilespmem:$0x27D0] =	vst v4  }
0x21: {  	[tilespmem:$0x27E0] =	vst v4  }
0x22: {  	[tilespmem:$0x27F0] =	vst v4  }
0x23: {  	[tilespmem:$0x2800] =	vst v4  }
0x24: {  	v0 =	vimm.s32 $0xEDCBA987;
	[tilespmem:$0x2810] =	vst v4  }
0x25: {  	v1 =	vimm.s32 $0x65432100;
	v0 =	vunpack.c.l.s4.s8 v0;
	[tilespmem:$0x2820] =	vst v4  }
0x26: {  	v2 =	vimm.s32 $0xDCBA9876;
	v1 =	vunpack.c.l.s4.s8 v1;
	[tilespmem:$0x2830] =	vst v4  }
0x27: {  	v3 =	vimm.s32 $0x54321000;
	v2 =	vunpack.c.l.s4.s8 v2;
	v0 =	vunpack.c.0.s8.s32 v0;
	[tilespmem:$0x2840] =	vst v4  }
0x28: {  	v3 =	vunpack.c.l.s4.s8 v3;
	v1 =	vunpack.c.0.s8.s32 v1;
	[tilespmem:$0x2850] =	vst v4  }
0x29: {  	v5 =	vimm.s32 $0x32100000;
	v2 =	vunpack.c.0.s8.s32 v2;
	v0 =	vand.u32 $0xF, v0;
	[tilespmem:$0x2860] =	vst v4  }
0x2a: {  	v6 =	vimm.s32 $0xBA987654;
	v0 =	vcombine.low v1, v0;
	v1 =	vunpack.c.0.s8.s32 v3;
	[tilespmem:$0x2870] =	vst v4  }
0x2b: {  	v7 =	vimm.s32 $0x87654321;
	v2 =	vand.u32 $0xF, v2;
	v3 =	vimm.s32 $0xE40000;
	[tilespmem:$0x2880] =	vst v4  }
0x2c: {  	v8 =	vimm.s32 $0x7060504;
	v3 =	vunpack.c.l.s2.s4 v3;
	v1 =	vcombine.low v1, v2;
	[tilespmem:$0x2890] =	vst v4  }
0x2d: {  	v2 =	vunpack.c.l.s4.s8 v5;
	v5 =	vunpack.c.l.s4.s8 v6;
	v6 =	vimm.s32 $0xFFEDCBA9;
	[tilespmem:$0x28A0] =	vst v4  }
0x2e: {  	vm5 =	vcmask $0x3F30;
	v7 =	vunpack.c.l.s4.s8 v7;
	v6 =	vunpack.c.l.s4.s8 v6;
	[tilespmem:$0x28B0] =	vst v4  }
0x2f: {  	vm0 =	vcmask $0x3F04;
	v3 =	vunpack.c.l.s4.s8 v3;
	v5 =	vunpack.c.0.s8.s32 v5;
	[tilespmem:$0x28C0] =	vst v4  }
0x30: {  	s28 =	sshrl.u32 s1, $0x3;
	s29 =	sshll.u32 s1, $0x7;
	v7 =	vunpack.c.0.s8.s32 v7;
	v2 =	vunpack.c.0.s8.s32 v2;
	[tilespmem:$0x28D0] =	vst v4;
	v6 =	vunpack.c.0.s8.s32 v6  }
0x31: {  	vm1 =	vcmask $0x3F08;
	s10 =	simm.s32 $0x2700;
	s11 =	simm.s32 $0x5920;
	s7 =	smul.u32 $0x1400, s28;
	v3 =	vunpack.c.0.s8.s32 v3;
	[tilespmem:$0x28E0] =	vst v4;
	v5 =	vand.u32 $0xF, v5  }
0x32: {  	s12 =	simm.s32 $0x59A0;
	v8 =	vunpack.c.0.s8.s32 v8;
	s30 =	sadd.s32 s4, s2;
	s8 =	sand.u32 $0x380, s29;
	[tilespmem:$0x28F0] =	vst v4;
	v2 =	vcombine.low v2, v5;
	v5 =	vcombine.low v7, v6  }
0x33: {  	vm2 =	vcmask $0x3F10;
	vm3 =	vcmask $0x3F20;
	s2 =	sadd.s32 $0x3E00, s30;
	s9 =	simm.s32 $0x58A0;
	s31 =	sor.u32 s8, s7;
	[tilespmem:$0x2900] =	vst v4;
	v3 =	vand.u32 $0x3, v3  }
0x34: {  	vm4 =	vcmask $0x3F3C;
	s8 =	simm.s32 $0x5820;
	s7 =	sadd.s32 s31, s5;
	s4 =	sadd.s32 s31, s3;
	[tilespmem:$0x2700] =	vst v4;
	v3 =	vsel vm5, v8, v3;
	v4 =	vand.u32 $0xF, v5  }
.LBB2_2:
0x35: {  	s13 =	sshra.s32 s6, $0x2  }
0x36: {  	v5 =	vld [tilespmem:s13+$0xD00]  }
0x37: {  	v6 =	vld [tilespmem:s13+$0x0];
	_ =	sdelay $0x3  }
0x38: {  	[tilespmem:$0x5820] =	vst v5  }
0x39: {  	v7 =	vld.idx.msk [tilespmem:v0+s8+$0x0], $0xffff;
	[tilespmem:$0x58A0] =	vst v6  }
0x3a: {  	v8 =	vld.idx.msk [tilespmem:v0+s9+$0x0], $0xffff;
	_ =	sdelay $0x3  }
0x3b: {  	vm6 =	veq.s32 v7, v5  }
0x3c: {  	vm6 =	vmand vm6, vm0;
	v7 =	vmax.f32 v6, v8  }
0x3d: {  	v6 =	vsel vm6, v7, v6  }
0x3e: {  	v7 =	vld.idx.msk [tilespmem:v1+s8+$0x0], $0xffff;
	[tilespmem:$0x58A0] =	vst v6  }
0x3f: {  	v54 =	vld.idx.msk [tilespmem:v1+s9+$0x0], $0xffff;
	_ =	sdelay $0x3  }
0x40: {  	vm6 =	veq.s32 v7, v5  }
0x41: {  	vm6 =	vmand vm6, vm1;
	v7 =	vmax.f32 v6, v54  }
0x42: {  	v6 =	vsel vm6, v7, v6  }
0x43: {  	v7 =	vld.idx.msk [tilespmem:v2+s8+$0x0], $0xffff;
	[tilespmem:$0x58A0] =	vst v6  }
0x44: {  	v55 =	vld.idx.msk [tilespmem:v2+s9+$0x0], $0xffff;
	_ =	sdelay $0x3  }
0x45: {  	vm6 =	veq.s32 v7, v5  }
0x46: {  	vm6 =	vmand vm6, vm2;
	v7 =	vmax.f32 v6, v55  }
0x47: {  	v6 =	vsel vm6, v7, v6  }
0x48: {  	v7 =	vld.idx.msk [tilespmem:v3+s8+$0x0], $0xffff;
	[tilespmem:$0x58A0] =	vst v6  }
0x49: {  	v56 =	vld.idx.msk [tilespmem:v4+s8+$0x0], $0xffff;
	_ =	sdelay $0x3  }
0x4a: {  	v9 =	vld.idx.msk [tilespmem:v3+s9+$0x0], $0xffff  }
0x4b: {  	vm6 =	vne.s32 v56, v5  }
0x4c: {  	v57 =	vld.idx.msk [tilespmem:v5+s10+$0x0], $0xffff;
	vm6 =	vmor vm6, vm4;
	_ =	sdelay $0x1  }
0x4d: {  	vm7 =	veq.s32 v7, v5  }
0x4e: {  	vm7 =	vmand vm7, vm3;
	v7 =	vmax.f32 v6, v9  }
0x4f: {  	v6 =	vsel vm7, v7, v6  }
0x50: {  	v6 =	vmax.f32 v57, v6  }
0x51: {  	[tilespmem:v5+s10+$0x0] =	vst.idx.msk vm6, v6  }
0x52: {  	v5 =	vld [tilespmem:s13+$0xD10]  }
0x53: {  	v6 =	vld [tilespmem:s13+$0x10];
	_ =	sdelay $0x3  }
0x54: {  	[tilespmem:$0x5920] =	vst v5  }
0x55: {  	v7 =	vld.idx.msk [tilespmem:v0+s11+$0x0], $0xffff;
	[tilespmem:$0x59A0] =	vst v6  }
0x56: {  	v58 =	vld.idx.msk [tilespmem:v0+s12+$0x0], $0xffff;
	_ =	sdelay $0x3  }
0x57: {  	vm6 =	veq.s32 v7, v5  }
0x58: {  	vm6 =	vmand vm6, vm0;
	v7 =	vmax.f32 v6, v58  }
0x59: {  	v6 =	vsel vm6, v7, v6  }
0x5a: {  	v7 =	vld.idx.msk [tilespmem:v1+s11+$0x0], $0xffff;
	[tilespmem:$0x59A0] =	vst v6  }
0x5b: {  	v59 =	vld.idx.msk [tilespmem:v1+s12+$0x0], $0xffff;
	_ =	sdelay $0x3  }
0x5c: {  	vm6 =	veq.s32 v7, v5  }
0x5d: {  	vm6 =	vmand vm6, vm1;
	v7 =	vmax.f32 v6, v59  }
0x5e: {  	v6 =	vsel vm6, v7, v6  }
0x5f: {  	v7 =	vld.idx.msk [tilespmem:v2+s11+$0x0], $0xffff;
	[tilespmem:$0x59A0] =	vst v6  }
0x60: {  	v60 =	vld.idx.msk [tilespmem:v2+s12+$0x0], $0xffff;
	_ =	sdelay $0x3  }
0x61: {  	vm6 =	veq.s32 v7, v5  }
0x62: {  	vm6 =	vmand vm6, vm2;
	v7 =	vmax.f32 v6, v60  }
0x63: {  	v6 =	vsel vm6, v7, v6  }
0x64: {  	v7 =	vld.idx.msk [tilespmem:v3+s11+$0x0], $0xffff;
	[tilespmem:$0x59A0] =	vst v6  }
0x65: {  	v61 =	vld.idx.msk [tilespmem:v4+s11+$0x0], $0xffff;
	_ =	sdelay $0x3  }
0x66: {  	v62 =	vld.idx.msk [tilespmem:v3+s12+$0x0], $0xffff  }
0x67: {  	vm6 =	vne.s32 v61, v5  }
0x68: {  	v63 =	vld.idx.msk [tilespmem:v5+s10+$0x0], $0xffff;
	vm6 =	vmor vm6, vm4  }
0x69: {  	p0 =	sne.s32 s6, $0x3380  }
.Ltmp1:
0x6a: {  	vm7 =	veq.s32 v7, v5;
	(pc) =	sbr.rel @p0 .LBB2_2-.Ltmp1, $4  }
0x6b: {  	vm7 =	vmand vm7, vm3;
	v7 =	vmax.f32 v6, v62  }
0x6c: {  	v6 =	vsel vm7, v7, v6  }
0x6d: {  	v6 =	vmax.f32 v63, v6  }
0x6e: {  	s6 =	sadd.s32 $0x80, s6;
	[tilespmem:v5+s10+$0x0] =	vst.idx.msk vm6, v6  }
0x6f: {  	s8 =	simm.s32 $0x80  }
0x70: {  	s9 =	simm.s32 $0x400;
	s6 =	simm.s32 $0x2700;
	s25 =	simm.s32 $0x1  }
0x71: {  	[spmem:s7] =	stream.strided.scatter [tilespmem:s6], [sflag:$0x1], $0x280, s9, s8, $0x38;
	[tilespmem:$0x5A20] =	vst v63  }
0x72: {  	_ =	swait.ge [sflag:s25], $0x280  }
0x73: {  	[sflag:s25] =	ssyncset.done $0x0  }
0x74: {  	[sflag:s25] =	ssyncadd.s32 $0xFFFFFD80  }
0x75: {  	s26 =	simm.s32 $0x2C00;
	[bflag:$0x0] =	sbarrier.arrive $0xFFFF  }
0x76: {  	[tilespmem:s26], [sflag:$0x1] =	stream.linear.gather [spmem:s5], $0x2800, $0x38;
	[tilespmem:$0x5A20] =	vst v63  }
0x77: {  	s5 =	simm.s32 $0x0;
	_ =	swait.ge [sflag:s25], $0x2800  }
0x78: {  	s28 =	sand.u32 $0x70, s5;
	s29 =	sand.u32 $0x1C00, s5;
	[sflag:s25] =	ssyncset.done $0x0  }
0x79: {  	s30 =	sor.u32 s28, s29;
	[sflag:s25] =	ssyncadd.s32 $0xFFFFD800  }
0x7a: {  	v0 =	vld [tilespmem:s30+$0x2C00]  }
0x7b: {  	v1 =	vld [tilespmem:s30+$0x2C80]  }
0x7c: {  	v2 =	vld [tilespmem:s30+$0x2D00]  }
0x7d: {  	v3 =	vld [tilespmem:s30+$0x2D80]  }
0x7e: {  	v4 =	vld [tilespmem:s30+$0x2E00]  }
0x7f: {  	v5 =	vld [tilespmem:s30+$0x2E80];
	v0 =	vmax.f32 v0, $-3.000000010e+38  }
0x80: {  	v0 =	vmax.f32 v0, v1;
	v1 =	vld [tilespmem:s30+$0x2F00]  }
0x81: {  	v0 =	vmax.f32 v0, v2;
	v2 =	vld [tilespmem:s30+$0x2F80]  }
0x82: {  	v0 =	vmax.f32 v0, v3;
	v3 =	vld [tilespmem:s30+$0x4000]  }
0x83: {  	v60 =	vld [tilespmem:s30+$0x4080];
	v0 =	vmax.f32 v0, v4  }
0x84: {  	v61 =	vld [tilespmem:s30+$0x4100];
	v0 =	vmax.f32 v0, v5  }
0x85: {  	v0 =	vmax.f32 v0, v1;
	v1 =	vld [tilespmem:s30+$0x4180]  }
0x86: {  	v0 =	vmax.f32 v0, v2;
	v2 =	vld [tilespmem:s30+$0x4200]  }
0x87: {  	v0 =	vmax.f32 v0, v3;
	v3 =	vld [tilespmem:s30+$0x4280]  }
0x88: {  	v62 =	vld [tilespmem:s30+$0x4300];
	v0 =	vmax.f32 v0, v60  }
0x89: {  	v63 =	vld [tilespmem:s30+$0x4380];
	v0 =	vmax.f32 v0, v61  }
0x8a: {  	v0 =	vmax.f32 v0, v1  }
0x8b: {  	v0 =	vmax.f32 v0, v2  }
0x8c: {  	v0 =	vmax.f32 v0, v3  }
0x8d: {  	v0 =	vmax.f32 v0, v62  }
0x8e: {  	v0 =	vmax.f32 v0, v63  }
0x8f: {  	vm6 =	vgt.f32 v0, $-3.000000010e+38  }
0x90: {  	s31 =	simm.s32 $0x10;
	s8 =	simm.s32 $0x80;
	v1 =	vnsel vm6, $0x0, v0  }
0x91: {  	s7 =	simm.s32 $0x2980;
	s9 =	sand.u32 $0x70, s31;
	s10 =	sand.u32 $0x1C00, s8;
	v0 =	vimm.f32 $0.0e+00;
	[tilespmem:s6+$0x0] =	vst v1  }
0x92: {  	s9 =	sor.u32 s9, s10;
	s10 =	simm.s32 $0x20;
	[tilespmem:s7+$0x0] =	vst v0  }
.LBB2_4:
0x93: {  	p0 =	sne.s32 s10, $0x200;
	v1 =	vld [tilespmem:s9+$0x2C00]  }
0x94: {  	v2 =	vld [tilespmem:s9+$0x2C80]  }
0x95: {  	v3 =	vld [tilespmem:s9+$0x2D00]  }
0x96: {  	v4 =	vld [tilespmem:s9+$0x2D80]  }
0x97: {  	v5 =	vld [tilespmem:s9+$0x2E00]  }
0x98: {  	v1 =	vmax.f32 v1, $-3.000000010e+38;
	v6 =	vld [tilespmem:s9+$0x2E80]  }
0x99: {  	v1 =	vmax.f32 v1, v2;
	v2 =	vld [tilespmem:s9+$0x2F00]  }
0x9a: {  	v1 =	vmax.f32 v1, v3;
	v3 =	vld [tilespmem:s9+$0x2F80]  }
0x9b: {  	v1 =	vmax.f32 v1, v4;
	v4 =	vld [tilespmem:s9+$0x4000]  }
0x9c: {  	v1 =	vmax.f32 v1, v5;
	v5 =	vld [tilespmem:s9+$0x4080]  }
0x9d: {  	v1 =	vmax.f32 v1, v6;
	v6 =	vld [tilespmem:s9+$0x4100]  }
0x9e: {  	v1 =	vmax.f32 v1, v2;
	v2 =	vld [tilespmem:s9+$0x4180]  }
0x9f: {  	v1 =	vmax.f32 v1, v3;
	v3 =	vld [tilespmem:s9+$0x4200]  }
0xa0: {  	v1 =	vmax.f32 v1, v4;
	v4 =	vld [tilespmem:s9+$0x4280]  }
0xa1: {  	v1 =	vmax.f32 v1, v5;
	v5 =	vld [tilespmem:s9+$0x4300]  }
0xa2: {  	v1 =	vmax.f32 v1, v6;
	v6 =	vld [tilespmem:s9+$0x4380]  }
0xa3: {  	v1 =	vmax.f32 v1, v2  }
0xa4: {  	v1 =	vmax.f32 v1, v3  }
0xa5: {  	v1 =	vmax.f32 v1, v4  }
0xa6: {  	v1 =	vmax.f32 v1, v5  }
.Ltmp2:
0xa7: {  	v1 =	vmax.f32 v1, v6;
	(pc) =	sbr.rel @p0 .LBB2_4-.Ltmp2, $4  }
0xa8: {  	vm6 =	vgt.f32 v1, $-3.000000010e+38  }
0xa9: {  	s8 =	sadd.s32 $0x80, s8;
	s6 =	sadd.s32 $0x10, s6;
	v1 =	vnsel vm6, $0x0, v1  }
0xaa: {  	s7 =	sadd.s32 $0x10, s7;
	s11 =	sand.u32 $0x1C00, s8;
	s9 =	sand.u32 $0x70, s10;
	[tilespmem:s6+$0x0] =	vst v1  }
0xab: {  	s10 =	sadd.s32 $0x10, s10;
	s9 =	sor.u32 s9, s11;
	[tilespmem:s7+$0x0] =	vst v0  }
0xac: {  	v1 =	vld [tilespmem:s9+$0x2C00]  }
0xad: {  	v2 =	vld [tilespmem:s9+$0x2C80]  }
0xae: {  	v3 =	vld [tilespmem:s9+$0x2D00]  }
0xaf: {  	v4 =	vld [tilespmem:s9+$0x2D80]  }
0xb0: {  	v5 =	vld [tilespmem:s9+$0x2E00]  }
0xb1: {  	v6 =	vld [tilespmem:s9+$0x2E80];
	v1 =	vmax.f32 v1, $-3.000000010e+38  }
0xb2: {  	v1 =	vmax.f32 v1, v2;
	v2 =	vld [tilespmem:s9+$0x2F00]  }
0xb3: {  	v1 =	vmax.f32 v1, v3;
	v3 =	vld [tilespmem:s9+$0x2F80]  }
0xb4: {  	v1 =	vmax.f32 v1, v4;
	v4 =	vld [tilespmem:s9+$0x4000]  }
0xb5: {  	v1 =	vmax.f32 v1, v5;
	v5 =	vld [tilespmem:s9+$0x4080]  }
0xb6: {  	v1 =	vmax.f32 v1, v6;
	v6 =	vld [tilespmem:s9+$0x4100]  }
0xb7: {  	v1 =	vmax.f32 v1, v2;
	v2 =	vld [tilespmem:s9+$0x4180]  }
0xb8: {  	v1 =	vmax.f32 v1, v3;
	v3 =	vld [tilespmem:s9+$0x4200]  }
0xb9: {  	v7 =	vimm.s32 $0xFFEDCBA9;
	v1 =	vmax.f32 v1, v4;
	v4 =	vld [tilespmem:s9+$0x4280]  }
0xba: {  	v8 =	vimm.s32 $0x87654321;
	v9 =	vimm.s32 $0x32100000;
	v1 =	vmax.f32 v1, v5;
	v5 =	vld [tilespmem:s9+$0x4300]  }
0xbb: {  	v63 =	vimm.s32 $0x7060504;
	v7 =	vunpack.c.l.s4.s8 v7;
	v1 =	vmax.f32 v1, v6;
	v6 =	vld [tilespmem:s9+$0x4380]  }
0xbc: {  	v8 =	vunpack.c.l.s4.s8 v8;
	v1 =	vmax.f32 v1, v2;
	v2 =	vimm.s32 $0xEDCBA987  }
0xbd: {  	v1 =	vmax.f32 v1, v3;
	v3 =	vimm.s32 $0x65432100;
	v2 =	vunpack.c.l.s4.s8 v2  }
0xbe: {  	v1 =	vmax.f32 v1, v4;
	v3 =	vunpack.c.l.s4.s8 v3;
	v4 =	vimm.s32 $0x54321000  }
0xbf: {  	v1 =	vmax.f32 v1, v5;
	v2 =	vunpack.c.0.s8.s32 v2;
	v4 =	vunpack.c.l.s4.s8 v4  }
0xc0: {  	v1 =	vmax.f32 v1, v6;
	v3 =	vunpack.c.0.s8.s32 v3;
	v6 =	vimm.s32 $0xE40000  }
0xc1: {  	vm6 =	vgt.f32 v1, $-3.000000010e+38;
	v2 =	vand.u32 $0xF, v2;
	v6 =	vunpack.c.l.s2.s4 v6  }
0xc2: {  	v5 =	vnsel vm6, $0x0, v1;
	v1 =	vcombine.low v3, v2;
	v3 =	vimm.s32 $0xDCBA9876  }
0xc3: {  	v2 =	vunpack.c.0.s8.s32 v4;
	v4 =	vimm.s32 $0xBA987654;
	v3 =	vunpack.c.l.s4.s8 v3  }
0xc4: {  	v9 =	vunpack.c.l.s4.s8 v9;
	v4 =	vunpack.c.l.s4.s8 v4;
	v6 =	vunpack.c.l.s4.s8 v6  }
0xc5: {  	v7 =	vunpack.c.0.s8.s32 v7;
	v8 =	vunpack.c.0.s8.s32 v8;
	v3 =	vunpack.c.0.s8.s32 v3  }
0xc6: {  	v9 =	vunpack.c.0.s8.s32 v9;
	v4 =	vunpack.c.0.s8.s32 v4;
	v6 =	vunpack.c.0.s8.s32 v6  }
0xc7: {  	s6 =	sadd.s32 $0x10, s6;
	s31 =	sadd.s32 $0x10, s7;
	v7 =	vcombine.low v8, v7;
	v8 =	vunpack.c.0.s8.s32 v63;
	v3 =	vand.u32 $0xF, v3  }
0xc8: {  	s7 =	simm.s32 $0x5820;
	s8 =	simm.s32 $0x58A0;
	s10 =	simm.s32 $0x5920;
	[tilespmem:s6+$0x0] =	vst v5;
	v2 =	vcombine.low v2, v3;
	v3 =	vand.u32 $0xF, v4;
	v4 =	vand.u32 $0x3, v6  }
0xc9: {  	s11 =	simm.s32 $0x59A0;
	s9 =	simm.s32 $0x2980;
	s6 =	simm.s32 $0x2700;
	[tilespmem:s31+$0x0] =	vst v0;
	v0 =	vcombine.low v9, v3;
	v3 =	vsel vm5, v8, v4;
	v4 =	vand.u32 $0xF, v7  }
.LBB2_6:
0xca: {  	s12 =	sshra.s32 s5, $0x2  }
0xcb: {  	v5 =	vld [tilespmem:s12+$0xD00];
	_ =	sdelay $0x6  }
0xcc: {  	v6 =	vld [tilespmem:s12+$0x0]  }
0xcd: {  	v7 =	vld.idx.msk [tilespmem:v5+s6+$0x0], $0xffff;
	_ =	sdelay $0x4  }
0xce: {  	v6 =	vsub.f32 v6, v7;
	_ =	sdelay $0x1  }
0xcf: {  	v6 =	vmul.f32 $1.442695020e+00, v6;
	_ =	sdelay $0x1  }
0xd0: {  	(erf) = vpow2.f32 v6;
	_ =	sdelay $0x8  }
0xd1: {  	v6 =	vpop (erf)  }
0xd2: {  	[tilespmem:s12+$0x1A00] =	vst v6  }
0xd3: {  	[tilespmem:$0x5820] =	vst v5  }
0xd4: {  	v7 =	vld.idx.msk [tilespmem:v1+s7+$0x0], $0xffff;
	[tilespmem:$0x58A0] =	vst v6  }
0xd5: {  	v8 =	vld.idx.msk [tilespmem:v1+s8+$0x0], $0xffff;
	_ =	sdelay $0x4  }
0xd6: {  	vm5 =	veq.s32 v7, v5;
	v7 =	vadd.f32 v8, v6  }
0xd7: {  	vm5 =	vmand vm5, vm0  }
0xd8: {  	v6 =	vsel vm5, v7, v6  }
0xd9: {  	v7 =	vld.idx.msk [tilespmem:v2+s7+$0x0], $0xffff;
	[tilespmem:$0x58A0] =	vst v6  }
0xda: {  	v54 =	vld.idx.msk [tilespmem:v2+s8+$0x0], $0xffff;
	_ =	sdelay $0x4  }
0xdb: {  	vm5 =	veq.s32 v7, v5;
	v7 =	vadd.f32 v54, v6  }
0xdc: {  	vm5 =	vmand vm5, vm1  }
0xdd: {  	v6 =	vsel vm5, v7, v6  }
0xde: {  	v7 =	vld.idx.msk [tilespmem:v0+s7+$0x0], $0xffff;
	[tilespmem:$0x58A0] =	vst v6  }
0xdf: {  	v55 =	vld.idx.msk [tilespmem:v0+s8+$0x0], $0xffff;
	_ =	sdelay $0x4  }
0xe0: {  	vm5 =	veq.s32 v7, v5;
	v7 =	vadd.f32 v55, v6  }
0xe1: {  	vm5 =	vmand vm5, vm2  }
0xe2: {  	v6 =	vsel vm5, v7, v6  }
0xe3: {  	v7 =	vld.idx.msk [tilespmem:v3+s7+$0x0], $0xffff;
	[tilespmem:$0x58A0] =	vst v6  }
0xe4: {  	v56 =	vld.idx.msk [tilespmem:v4+s7+$0x0], $0xffff;
	_ =	sdelay $0x1  }
0xe5: {  	v9 =	vld.idx.msk [tilespmem:v3+s8+$0x0], $0xffff;
	_ =	sdelay $0x2  }
0xe6: {  	v57 =	vld.idx.msk [tilespmem:v5+s9+$0x0], $0xffff;
	vm5 =	vne.s32 v56, v5  }
0xe7: {  	vm5 =	vmor vm5, vm4  }
0xe8: {  	vm6 =	veq.s32 v7, v5;
	v7 =	vadd.f32 v9, v6  }
0xe9: {  	vm6 =	vmand vm6, vm3  }
0xea: {  	v6 =	vsel vm6, v7, v6  }
0xeb: {  	v6 =	vadd.f32 v6, v57;
	_ =	sdelay $0x1  }
0xec: {  	[tilespmem:v5+s9+$0x0] =	vst.idx.msk vm5, v6  }
0xed: {  	v5 =	vld [tilespmem:s12+$0xD10];
	_ =	sdelay $0x6  }
0xee: {  	v6 =	vld [tilespmem:s12+$0x10]  }
0xef: {  	v7 =	vld.idx.msk [tilespmem:v5+s6+$0x0], $0xffff;
	_ =	sdelay $0x4  }
0xf0: {  	v6 =	vsub.f32 v6, v7;
	_ =	sdelay $0x1  }
0xf1: {  	v6 =	vmul.f32 $1.442695020e+00, v6;
	_ =	sdelay $0x1  }
0xf2: {  	(erf) = vpow2.f32 v6;
	_ =	sdelay $0x8  }
0xf3: {  	v6 =	vpop (erf)  }
0xf4: {  	[tilespmem:s12+$0x1A10] =	vst v6  }
0xf5: {  	[tilespmem:$0x5920] =	vst v5  }
0xf6: {  	v7 =	vld.idx.msk [tilespmem:v1+s10+$0x0], $0xffff;
	[tilespmem:$0x59A0] =	vst v6  }
0xf7: {  	v58 =	vld.idx.msk [tilespmem:v1+s11+$0x0], $0xffff;
	_ =	sdelay $0x4  }
0xf8: {  	vm5 =	veq.s32 v7, v5;
	v7 =	vadd.f32 v58, v6  }
0xf9: {  	vm5 =	vmand vm5, vm0  }
0xfa: {  	v6 =	vsel vm5, v7, v6  }
0xfb: {  	v7 =	vld.idx.msk [tilespmem:v2+s10+$0x0], $0xffff;
	[tilespmem:$0x59A0] =	vst v6  }
0xfc: {  	v59 =	vld.idx.msk [tilespmem:v2+s11+$0x0], $0xffff;
	_ =	sdelay $0x4  }
0xfd: {  	vm5 =	veq.s32 v7, v5;
	v7 =	vadd.f32 v59, v6  }
0xfe: {  	vm5 =	vmand vm5, vm1  }
0xff: {  	v6 =	vsel vm5, v7, v6  }
0x100: {  	v7 =	vld.idx.msk [tilespmem:v0+s10+$0x0], $0xffff;
	[tilespmem:$0x59A0] =	vst v6  }
0x101: {  	v60 =	vld.idx.msk [tilespmem:v0+s11+$0x0], $0xffff;
	_ =	sdelay $0x4  }
0x102: {  	vm5 =	veq.s32 v7, v5;
	v7 =	vadd.f32 v60, v6  }
0x103: {  	vm5 =	vmand vm5, vm2  }
0x104: {  	v6 =	vsel vm5, v7, v6  }
0x105: {  	v7 =	vld.idx.msk [tilespmem:v3+s10+$0x0], $0xffff;
	[tilespmem:$0x59A0] =	vst v6  }
0x106: {  	v61 =	vld.idx.msk [tilespmem:v4+s10+$0x0], $0xffff;
	_ =	sdelay $0x1  }
0x107: {  	v62 =	vld.idx.msk [tilespmem:v3+s11+$0x0], $0xffff;
	_ =	sdelay $0x2  }
0x108: {  	v63 =	vld.idx.msk [tilespmem:v5+s9+$0x0], $0xffff;
	vm5 =	vne.s32 v61, v5  }
0x109: {  	vm5 =	vmor vm5, vm4  }
0x10a: {  	p0 =	sne.s32 s5, $0x3380;
	vm6 =	veq.s32 v7, v5;
	v7 =	vadd.f32 v62, v6  }
.Ltmp3:
0x10b: {  	vm6 =	vmand vm6, vm3;
	(pc) =	sbr.rel @p0 .LBB2_6-.Ltmp3, $3  }
0x10c: {  	v6 =	vsel vm6, v7, v6  }
0x10d: {  	v6 =	vadd.f32 v6, v63;
	_ =	sdelay $0x1  }
0x10e: {  	s5 =	sadd.s32 $0x80, s5;
	[tilespmem:v5+s9+$0x0] =	vst.idx.msk vm5, v6  }
0x10f: {  	s6 =	simm.s32 $0x80  }
0x110: {  	s7 =	simm.s32 $0x400;
	s5 =	simm.s32 $0x2980;
	s26 =	simm.s32 $0x1  }
0x111: {  	[spmem:s4] =	stream.strided.scatter [tilespmem:s5], [sflag:$0x1], $0x280, s7, s6, $0x38;
	[tilespmem:$0x5A20] =	vst v63  }
0x112: {  	_ =	swait.ge [sflag:s26], $0x280  }
0x113: {  	[sflag:s26] =	ssyncset.done $0x0  }
0x114: {  	[sflag:s26] =	ssyncadd.s32 $0xFFFFFD80  }
0x115: {  	s28 =	simm.s32 $0x2C00;
	[bflag:$0x0] =	sbarrier.arrive $0xFFFF  }
0x116: {  	[tilespmem:s28], [sflag:$0x1] =	stream.linear.gather [spmem:s3], $0x2800, $0x38;
	[tilespmem:$0x5A20] =	vst v63  }
0x117: {  	s29 =	simm.s32 $0x0;
	_ =	swait.ge [sflag:s26], $0x2800  }
0x118: {  	s30 =	sand.u32 $0x70, s29;
	s3 =	sand.u32 $0x1C00, s29;
	[sflag:s26] =	ssyncset.done $0x0  }
0x119: {  	s3 =	sor.u32 s30, s3;
	[sflag:s26] =	ssyncadd.s32 $0xFFFFD800  }
0x11a: {  	v0 =	vld [tilespmem:s3+$0x2C00];
	_ =	sdelay $0x1  }
0x11b: {  	v1 =	vld [tilespmem:s3+$0x2C80];
	_ =	sdelay $0x1  }
0x11c: {  	v2 =	vld [tilespmem:s3+$0x2D00]  }
0x11d: {  	v0 =	vadd.f32 $0.0e+00, v0  }
0x11e: {  	v3 =	vld [tilespmem:s3+$0x2D80]  }
0x11f: {  	v0 =	vadd.f32 v1, v0  }
0x120: {  	v1 =	vld [tilespmem:s3+$0x2E00]  }
0x121: {  	v0 =	vadd.f32 v2, v0  }
0x122: {  	v2 =	vld [tilespmem:s3+$0x2E80]  }
0x123: {  	v0 =	vadd.f32 v3, v0  }
0x124: {  	v3 =	vld [tilespmem:s3+$0x2F00]  }
0x125: {  	v0 =	vadd.f32 v1, v0  }
0x126: {  	v1 =	vld [tilespmem:s3+$0x2F80]  }
0x127: {  	v0 =	vadd.f32 v2, v0  }
0x128: {  	v2 =	vld [tilespmem:s3+$0x4000]  }
0x129: {  	v0 =	vadd.f32 v3, v0  }
0x12a: {  	v3 =	vld [tilespmem:s3+$0x4080]  }
0x12b: {  	v0 =	vadd.f32 v1, v0  }
0x12c: {  	v1 =	vld [tilespmem:s3+$0x4100]  }
0x12d: {  	v0 =	vadd.f32 v2, v0  }
0x12e: {  	v2 =	vld [tilespmem:s3+$0x4180]  }
0x12f: {  	v0 =	vadd.f32 v3, v0  }
0x130: {  	v3 =	vld [tilespmem:s3+$0x4200]  }
0x131: {  	v0 =	vadd.f32 v1, v0  }
0x132: {  	v1 =	vld [tilespmem:s3+$0x4280]  }
0x133: {  	v0 =	vadd.f32 v2, v0  }
0x134: {  	v2 =	vld [tilespmem:s3+$0x4300]  }
0x135: {  	v0 =	vadd.f32 v3, v0  }
0x136: {  	v3 =	vld [tilespmem:s3+$0x4380]  }
0x137: {  	v0 =	vadd.f32 v1, v0;
	_ =	sdelay $0x1  }
0x138: {  	v0 =	vadd.f32 v2, v0;
	_ =	sdelay $0x1  }
0x139: {  	s31 =	simm.s32 $0x10;
	s3 =	simm.s32 $0x80;
	v0 =	vadd.f32 v3, v0  }
0x13a: {  	s6 =	sand.u32 $0x70, s31;
	s4 =	simm.s32 $0x20;
	s7 =	sand.u32 $0x1C00, s3  }
.LBB2_8:
0x13b: {  	p0 =	sne.s32 s4, $0x200;
	s6 =	sor.u32 s6, s7;
	[tilespmem:s5+$0x0] =	vst v0  }
0x13c: {  	v0 =	vld [tilespmem:s6+$0x2C00];
	_ =	sdelay $0x1  }
0x13d: {  	v1 =	vld [tilespmem:s6+$0x2C80];
	_ =	sdelay $0x1  }
0x13e: {  	v2 =	vld [tilespmem:s6+$0x2D00]  }
0x13f: {  	v0 =	vadd.f32 $0.0e+00, v0  }
0x140: {  	v3 =	vld [tilespmem:s6+$0x2D80]  }
0x141: {  	v0 =	vadd.f32 v1, v0  }
0x142: {  	v1 =	vld [tilespmem:s6+$0x2E00]  }
0x143: {  	v0 =	vadd.f32 v2, v0  }
0x144: {  	v2 =	vld [tilespmem:s6+$0x2E80]  }
0x145: {  	v0 =	vadd.f32 v3, v0  }
0x146: {  	v3 =	vld [tilespmem:s6+$0x2F00]  }
0x147: {  	v0 =	vadd.f32 v1, v0  }
0x148: {  	v1 =	vld [tilespmem:s6+$0x2F80]  }
0x149: {  	v0 =	vadd.f32 v2, v0  }
0x14a: {  	v2 =	vld [tilespmem:s6+$0x4000]  }
0x14b: {  	v0 =	vadd.f32 v3, v0  }
0x14c: {  	v3 =	vld [tilespmem:s6+$0x4080]  }
0x14d: {  	v0 =	vadd.f32 v1, v0  }
0x14e: {  	v1 =	vld [tilespmem:s6+$0x4100]  }
0x14f: {  	v0 =	vadd.f32 v2, v0  }
0x150: {  	v2 =	vld [tilespmem:s6+$0x4180]  }
0x151: {  	v0 =	vadd.f32 v3, v0  }
0x152: {  	v3 =	vld [tilespmem:s6+$0x4200]  }
0x153: {  	v0 =	vadd.f32 v1, v0  }
0x154: {  	v1 =	vld [tilespmem:s6+$0x4280]  }
0x155: {  	v0 =	vadd.f32 v2, v0  }
0x156: {  	v2 =	vld [tilespmem:s6+$0x4300]  }
0x157: {  	v0 =	vadd.f32 v3, v0  }
0x158: {  	v3 =	vld [tilespmem:s6+$0x4380]  }
0x159: {  	v0 =	vadd.f32 v1, v0  }
.Ltmp4:
0x15a: {  	(pc) =	sbr.rel @p0 .LBB2_8-.Ltmp4, $3  }
0x15b: {  	v0 =	vadd.f32 v2, v0;
	_ =	sdelay $0x1  }
0x15c: {  	s3 =	sadd.s32 $0x80, s3;
	s5 =	sadd.s32 $0x10, s5;
	v0 =	vadd.f32 v3, v0  }
0x15d: {  	s7 =	sand.u32 $0x1C00, s3;
	s6 =	sand.u32 $0x70, s4;
	s4 =	sadd.s32 $0x10, s4  }
0x15e: {  	s3 =	sor.u32 s6, s7;
	[tilespmem:s5+$0x0] =	vst v0  }
0x15f: {  	v0 =	vld [tilespmem:s3+$0x2C00];
	_ =	sdelay $0x1  }
0x160: {  	v1 =	vld [tilespmem:s3+$0x2C80];
	_ =	sdelay $0x1  }
0x161: {  	v2 =	vld [tilespmem:s3+$0x2D00]  }
0x162: {  	v0 =	vadd.f32 $0.0e+00, v0  }
0x163: {  	v3 =	vld [tilespmem:s3+$0x2D80]  }
0x164: {  	v0 =	vadd.f32 v1, v0  }
0x165: {  	v1 =	vld [tilespmem:s3+$0x2E00]  }
0x166: {  	v0 =	vadd.f32 v2, v0  }
0x167: {  	v2 =	vld [tilespmem:s3+$0x2E80]  }
0x168: {  	v0 =	vadd.f32 v3, v0  }
0x169: {  	v3 =	vld [tilespmem:s3+$0x2F00]  }
0x16a: {  	v0 =	vadd.f32 v1, v0  }
0x16b: {  	v1 =	vld [tilespmem:s3+$0x2F80]  }
0x16c: {  	v0 =	vadd.f32 v2, v0  }
0x16d: {  	v2 =	vld [tilespmem:s3+$0x4000]  }
0x16e: {  	v0 =	vadd.f32 v3, v0  }
0x16f: {  	v3 =	vld [tilespmem:s3+$0x4080]  }
0x170: {  	v0 =	vadd.f32 v1, v0  }
0x171: {  	v1 =	vld [tilespmem:s3+$0x4100]  }
0x172: {  	v0 =	vadd.f32 v2, v0  }
0x173: {  	v2 =	vld [tilespmem:s3+$0x4180]  }
0x174: {  	v0 =	vadd.f32 v3, v0  }
0x175: {  	v3 =	vld [tilespmem:s3+$0x4200]  }
0x176: {  	v0 =	vadd.f32 v1, v0  }
0x177: {  	v1 =	vld [tilespmem:s3+$0x4280]  }
0x178: {  	v0 =	vadd.f32 v2, v0  }
0x179: {  	v2 =	vld [tilespmem:s3+$0x4300]  }
0x17a: {  	v0 =	vadd.f32 v3, v0  }
0x17b: {  	v3 =	vld [tilespmem:s3+$0x4380]  }
0x17c: {  	v0 =	vadd.f32 v1, v0;
	_ =	sdelay $0x1  }
0x17d: {  	v0 =	vadd.f32 v2, v0;
	_ =	sdelay $0x1  }
0x17e: {  	v0 =	vadd.f32 v3, v0  }
0x17f: {  	s31 =	sadd.s32 $0x10, s5  }
0x180: {  	s4 =	simm.s32 $0x0;
	[tilespmem:s31+$0x0] =	vst v0  }
0x181: {  	v0 =	vld [tilespmem:s4+$0xD00];
	_ =	sdelay $0x6  }
0x182: {  	s3 =	simm.s32 $0x2980  }
0x183: {  	v0 =	vld.idx.msk [tilespmem:v0+s3+$0x0], $0xffff;
	_ =	sdelay $0x4  }
0x184: {  	v0 =	vadd.f32 $1.000000020e-16, v0;
	_ =	sdelay $0x1  }
0x185: {  	(erf) = vrcp.f32 v0;
	_ =	sdelay $0x3  }
0x186: {  	v1 =	vld [tilespmem:s4+$0x1A00]  }
0x187: {  	v0 =	vld [tilespmem:s4+$0xD10];
	_ =	sdelay $0x3  }
0x188: {  	v2 =	vpop (erf)  }
0x189: {  	v1 =	vmul.f32 v2, v1;
	_ =	sdelay $0x1  }
0x18a: {  	[tilespmem:s4+$0x1A00] =	vst v1  }
0x18b: {  	v0 =	vld.idx.msk [tilespmem:v0+s3+$0x0], $0xffff;
	_ =	sdelay $0x4  }
0x18c: {  	v0 =	vadd.f32 $1.000000020e-16, v0;
	_ =	sdelay $0x1  }
0x18d: {  	(erf) = vrcp.f32 v0;
	_ =	sdelay $0x3  }
0x18e: {  	v1 =	vld [tilespmem:s4+$0x1A10]  }
0x18f: {  	v0 =	vld [tilespmem:s4+$0xD20];
	_ =	sdelay $0x3  }
0x190: {  	v2 =	vpop (erf)  }
0x191: {  	v1 =	vmul.f32 v2, v1;
	_ =	sdelay $0x1  }
0x192: {  	[tilespmem:s4+$0x1A10] =	vst v1  }
0x193: {  	v0 =	vld.idx.msk [tilespmem:v0+s3+$0x0], $0xffff;
	_ =	sdelay $0x4  }
0x194: {  	v0 =	vadd.f32 $1.000000020e-16, v0;
	_ =	sdelay $0x1  }
0x195: {  	(erf) = vrcp.f32 v0;
	_ =	sdelay $0x3  }
0x196: {  	v1 =	vld [tilespmem:s4+$0x1A20]  }
0x197: {  	v0 =	vld [tilespmem:s4+$0xD30];
	_ =	sdelay $0x3  }
0x198: {  	v2 =	vpop (erf)  }
0x199: {  	v1 =	vmul.f32 v2, v1;
	_ =	sdelay $0x1  }
0x19a: {  	[tilespmem:s4+$0x1A20] =	vst v1  }
0x19b: {  	v0 =	vld.idx.msk [tilespmem:v0+s3+$0x0], $0xffff;
	_ =	sdelay $0x4  }
0x19c: {  	v0 =	vadd.f32 $1.000000020e-16, v0;
	_ =	sdelay $0x1  }
0x19d: {  	(erf) = vrcp.f32 v0;
	_ =	sdelay $0x2  }
0x19e: {  	s6 =	simm.s32 $0x40  }
0x19f: {  	s5 =	simm.s32 $0x200;
	v0 =	vld [tilespmem:s6+$0xD00]  }
.LBB2_10:
0x1a0: {  	p0 =	sne.s32 s5, $0x3300;
	v1 =	vld [tilespmem:s4+$0x1A30];
	_ =	sdelay $0x3  }
0x1a1: {  	v2 =	vpop (erf)  }
0x1a2: {  	v1 =	vmul.f32 v2, v1;
	_ =	sdelay $0x1  }
0x1a3: {  	[tilespmem:s4+$0x1A30] =	vst v1;
	s4 =	smov.u32 s6  }
0x1a4: {  	v0 =	vld.idx.msk [tilespmem:v0+s3+$0x0], $0xffff;
	_ =	sdelay $0x5  }
0x1a5: {  	v0 =	vadd.f32 $1.000000020e-16, v0;
	_ =	sdelay $0x1  }
0x1a6: {  	(erf) = vrcp.f32 v0;
	_ =	sdelay $0x3  }
0x1a7: {  	v0 =	vld [tilespmem:s4+$0xD10]  }
0x1a8: {  	v1 =	vld [tilespmem:s4+$0x1A00];
	_ =	sdelay $0x3  }
0x1a9: {  	v2 =	vpop (erf)  }
0x1aa: {  	v1 =	vmul.f32 v2, v1;
	_ =	sdelay $0x1  }
0x1ab: {  	[tilespmem:s4+$0x1A00] =	vst v1  }
0x1ac: {  	v0 =	vld.idx.msk [tilespmem:v0+s3+$0x0], $0xffff;
	_ =	sdelay $0x5  }
0x1ad: {  	v0 =	vadd.f32 $1.000000020e-16, v0;
	_ =	sdelay $0x1  }
0x1ae: {  	(erf) = vrcp.f32 v0;
	_ =	sdelay $0x3  }
0x1af: {  	v0 =	vld [tilespmem:s4+$0xD20]  }
0x1b0: {  	v1 =	vld [tilespmem:s4+$0x1A10];
	_ =	sdelay $0x3  }
0x1b1: {  	v2 =	vpop (erf)  }
0x1b2: {  	v1 =	vmul.f32 v2, v1;
	_ =	sdelay $0x1  }
0x1b3: {  	[tilespmem:s4+$0x1A10] =	vst v1  }
0x1b4: {  	v0 =	vld.idx.msk [tilespmem:v0+s3+$0x0], $0xffff;
	_ =	sdelay $0x5  }
0x1b5: {  	v0 =	vadd.f32 $1.000000020e-16, v0;
	_ =	sdelay $0x1  }
0x1b6: {  	(erf) = vrcp.f32 v0;
	_ =	sdelay $0x3  }
0x1b7: {  	v0 =	vld [tilespmem:s4+$0xD30]  }
0x1b8: {  	v1 =	vld [tilespmem:s4+$0x1A20];
	_ =	sdelay $0x3  }
0x1b9: {  	v2 =	vpop (erf)  }
0x1ba: {  	v1 =	vmul.f32 v2, v1;
	_ =	sdelay $0x1  }
0x1bb: {  	[tilespmem:s4+$0x1A20] =	vst v1  }
0x1bc: {  	v0 =	vld.idx.msk [tilespmem:v0+s3+$0x0], $0xffff;
	_ =	sdelay $0x5  }
0x1bd: {  	v0 =	vadd.f32 $1.000000020e-16, v0;
	_ =	sdelay $0x1  }
.Ltmp5:
0x1be: {  	(erf) = vrcp.f32 v0;
	(pc) =	sbr.rel @p0 .LBB2_10-.Ltmp5, $3  }
0x1bf: {  	_ =	sdelay $0x1  }
0x1c0: {  	s6 =	sshra.s32 s5, $0x2  }
0x1c1: {  	s5 =	sadd.s32 $0x100, s5;
	v0 =	vld [tilespmem:s6+$0xD00]  }
0x1c2: {  	v1 =	vld [tilespmem:s4+$0x1A30];
	_ =	sdelay $0x3  }
0x1c3: {  	v2 =	vpop (erf)  }
0x1c4: {  	v1 =	vmul.f32 v2, v1;
	_ =	sdelay $0x1  }
0x1c5: {  	[tilespmem:s4+$0x1A30] =	vst v1  }
0x1c6: {  	v0 =	vld.idx.msk [tilespmem:v0+s3+$0x0], $0xffff;
	_ =	sdelay $0x4  }
0x1c7: {  	v0 =	vadd.f32 $1.000000020e-16, v0;
	_ =	sdelay $0x1  }
0x1c8: {  	(erf) = vrcp.f32 v0;
	_ =	sdelay $0x3  }
0x1c9: {  	v54 =	vld [tilespmem:s6+$0xD10]  }
0x1ca: {  	v1 =	vld [tilespmem:s6+$0x1A00];
	_ =	sdelay $0x3  }
0x1cb: {  	v55 =	vpop (erf)  }
0x1cc: {  	v1 =	vmul.f32 v55, v1;
	_ =	sdelay $0x1  }
0x1cd: {  	[tilespmem:s6+$0x1A00] =	vst v1  }
0x1ce: {  	v0 =	vld.idx.msk [tilespmem:v54+s3+$0x0], $0xffff;
	_ =	sdelay $0x4  }
0x1cf: {  	v0 =	vadd.f32 $1.000000020e-16, v0;
	_ =	sdelay $0x1  }
0x1d0: {  	(erf) = vrcp.f32 v0;
	_ =	sdelay $0x3  }
0x1d1: {  	v56 =	vld [tilespmem:s6+$0xD20]  }
0x1d2: {  	v57 =	vld [tilespmem:s6+$0x1A10];
	_ =	sdelay $0x3  }
0x1d3: {  	v58 =	vpop (erf)  }
0x1d4: {  	v1 =	vmul.f32 v58, v57;
	_ =	sdelay $0x1  }
0x1d5: {  	[tilespmem:s6+$0x1A10] =	vst v1  }
0x1d6: {  	v0 =	vld.idx.msk [tilespmem:v56+s3+$0x0], $0xffff;
	_ =	sdelay $0x4  }
0x1d7: {  	v0 =	vadd.f32 $1.000000020e-16, v0;
	_ =	sdelay $0x1  }
0x1d8: {  	(erf) = vrcp.f32 v0;
	_ =	sdelay $0x3  }
0x1d9: {  	v59 =	vld [tilespmem:s6+$0xD30]  }
0x1da: {  	v60 =	vld [tilespmem:s6+$0x1A20];
	_ =	sdelay $0x3  }
0x1db: {  	v61 =	vpop (erf)  }
0x1dc: {  	v1 =	vmul.f32 v61, v60;
	_ =	sdelay $0x1  }
0x1dd: {  	[tilespmem:s6+$0x1A20] =	vst v1  }
0x1de: {  	v0 =	vld.idx.msk [tilespmem:v59+s3+$0x0], $0xffff;
	_ =	sdelay $0x4  }
0x1df: {  	v0 =	vadd.f32 $1.000000020e-16, v0;
	_ =	sdelay $0x1  }
0x1e0: {  	(erf) = vrcp.f32 v0;
	_ =	sdelay $0x4  }
0x1e1: {  	v62 =	vld [tilespmem:s6+$0x1A30];
	_ =	sdelay $0x3  }
0x1e2: {  	v63 =	vpop (erf)  }
0x1e3: {  	v0 =	vmul.f32 v63, v62;
	_ =	sdelay $0x1  }
0x1e4: {  	s29 =	simm.s32 $0x0;
	s30 =	simm.s32 $0x1A00;
	s31 =	simm.s32 $0x1;
	[tilespmem:s6+$0x1A30] =	vst v0  }
0x1e5: {  	[hbm4b:s2+s29] =	stream.linear.scatter [tilespmem:s30], [sflag:$0x1], $0xD00, $0x38;
	[tilespmem:$0x5A20] =	vst v63  }
0x1e6: {  	_ =	swait.ge [sflag:s31], $0xD00  }
0x1e7: {  	[sflag:s31] =	ssyncset.done $0x0  }
0x1e8: {  	[sflag:s31] =	ssyncadd.s32 $0xFFFFF300  }
.LBB2_12:
0x1e9: {  	_ =	sfence.sel $0x180000  }
0x1ea: {  	[bflag:$0x0] =	sbarrier.arrive $0xFFFF  }
0x1eb: {  	p0 =	sne.s32 s1, $0x0;
	_ =	strace $0x90000047  }
0x1ec: {  	s0 =	sadd.s32 @!p0 $0x100000, s0;
	[bflag:$0x2] =	sbarrier.arrive $0xFFFF  }
0x1ed: {  	[sflag:s0] =	ssyncadd.tile.s32 @!p0 $0x1;
	_ =	shalt  }
.Lfunc_end2:
_tile_overlayer_lowered:
.L_overlay_start_2:
0x1ee: {  	(tag) =	ssettag $0x2  }
0x1ef: {  	s0 =	rddreg [dreg:$0x0];
	s2 =	stileid.u32  }
0x1f0: {  	s1 =	rddreg [dreg:$0x1];
	p0 =	sne.s32 s2, $0x0  }
0x1f1: {  	s3 =	rddreg [dreg:$0x2];
	[bflag:$0x3] =	sbarrier.arrive $0xFFFF;
	s2 =	simm.s32 @!p0 $0x1C01  }
0x1f2: {  	[timem:s3], [sflag:s2] =	dma.local @!p0 [hbm:s0], s1  }
0x1f3: {  	s0 =	simm.s32 @!p0 $0x1  }
0x1f4: {  	_ =	swait.ge @!p0 [sflag:s0], s1  }
0x1f5: {  	s1 =	ssub.s32 @!p0 $0x0, s1;
	[sflag:s0] =	ssyncset.done @!p0 $0x0  }
0x1f6: {  	[sflag:s0] =	ssyncadd.s32 @!p0 s1  }
0x1f7: {  	[bflag:$0x3] =	sbarrier.arrive $0xFFFF  }
0x1f8: {  	_ =	shalt  }

</sc_bundles>
